<compile_context>
chip_gen: v7x
topology: tpu7x:2x2x1
jax: 0.10.2.dev20260603
libtpu: 0.0.44.dev20260713+nightly
codegen_flags: <defaults>
</compile_context>

<pallas_src>
import functools

import jax
import jax.numpy as jnp
from jax import lax
from jax.experimental import pallas as pl
from jax.experimental.pallas import tpu as pltpu
from jax.experimental.pallas import tpu_sc as plsc

_B, _L, _A = 4096, 2048, 20
_AP = 21
_SKEW = 17
_NC, _NS, _LANES = 2, 16, 16
_NW = _NC * _NS

_B_SC = 2560
_B_TC = _B - _B_SC
_BB = 512

_ROWS_PER_W = _B_SC // _NW
_GROUP = _LANES
_NGROUPS = _ROWS_PER_W // _GROUP
_CHUNKS = _L // _LANES


def _tc_gather_body(x_ref, tbl_ref, out_ref, c_ref):
    xb = x_ref[...]
    cols = [tbl_ref[a, :].reshape(1, _L) for a in range(_A)]

    m0 = (xb & 1) != 0
    m1 = (xb & 2) != 0
    m2 = (xb & 4) != 0
    m3 = (xb & 8) != 0
    m4 = (xb & 16) != 0

    u = [jnp.where(m0, cols[2 * i + 1], cols[2 * i]) for i in range(10)]
    v = [jnp.where(m1, u[2 * i + 1], u[2 * i]) for i in range(5)]
    w0 = jnp.where(m2, v[1], v[0])
    w1 = jnp.where(m2, v[3], v[2])
    z0 = jnp.where(m3, w1, w0)
    g = jnp.where(m4, v[4], z0)
    out_ref[...] = jnp.sum(g, axis=1, keepdims=True)

    @pl.when(pl.program_id(0) == 0)
    def _():
        tb = tbl_ref[...]
        m = jnp.max(tb, axis=0, keepdims=True)
        s = jnp.sum(jnp.exp(tb - m), axis=0, keepdims=True)
        c_ref[...] = jnp.sum(m + jnp.log(s)).reshape(1, 1)


_tc_gather_sum = pl.pallas_call(
    _tc_gather_body,
    grid=(_B_TC // _BB,),
    in_specs=[
        pl.BlockSpec((_BB, _L), lambda i: (i, 0)),
        pl.BlockSpec((_A, _L), lambda i: (0, 0)),
    ],
    out_specs=[
        pl.BlockSpec((_BB, 1), lambda i: (i, 0)),
        pl.BlockSpec((1, 1), lambda i: (0, 0)),
    ],
    out_shape=[
        jax.ShapeDtypeStruct((_B_TC, 1), jnp.float32),
        jax.ShapeDtypeStruct((1, 1), jnp.float32),
    ],
)


def _gather_sum_body(x_hbm, table_hbm, out_hbm, table_v, xbuf, out_v,
                     tr_v, sems, tsem):
    cid = lax.axis_index("c")
    sid = lax.axis_index("s")
    wid = sid * _NC + cid
    row0 = wid * _ROWS_PER_W

    tcopy = pltpu.async_copy(table_hbm, table_v, tsem)

    def start_copy(g, slot):
        return pltpu.async_copy(
            x_hbm.at[pl.ds(_B_TC + row0 + g * _GROUP, _GROUP), :],
            xbuf.at[slot], sems.at[slot])

    start_copy(0, 0)
    lane = lax.iota(jnp.int32, _LANES)
    zero = jnp.zeros((_LANES,), jnp.float32)
    tcopy.wait()

    def group_body(g, _):
        slot = lax.rem(g, 2)

        @pl.when(g + 1 < _NGROUPS)
        def _():
            start_copy(g + 1, lax.rem(g + 1, 2))

        pltpu.make_async_copy(
            x_hbm.at[pl.ds(_B_TC + row0 + g * _GROUP, _GROUP), :],
            xbuf.at[slot], sems.at[slot]).wait()

        @plsc.parallel_loop(0, _CHUNKS, carry=(zero,) * _GROUP)
        def accs(j, carry):
            lvec = lane + j * _LANES
            out = []
            for r in range(_GROUP):
                xv = xbuf[slot, r, pl.ds(j * _LANES, _LANES)]
                t = plsc.load_gather(table_v, [(xv << 11) | lvec])
                out.append(carry[r] + t)
            return tuple(out)

        for r in range(_GROUP):
            plsc.store_scatter(tr_v, [lane + r * _SKEW], accs[r])
        res = zero
        for i in range(_LANES):
            res = res + plsc.load_gather(tr_v, [lane * _SKEW + i])
        out_v[pl.ds(g * _GROUP, _GROUP)] = res
        return 0

    lax.fori_loop(0, _NGROUPS, group_body, 0)
    pltpu.sync_copy(out_v, out_hbm.at[pl.ds(row0, _ROWS_PER_W)])


_gather_sum = pl.kernel(
    _gather_sum_body,
    out_type=jax.ShapeDtypeStruct((_B_SC,), jnp.float32),
    mesh=plsc.VectorSubcoreMesh(core_axis_name="c", subcore_axis_name="s"),
    compiler_params=pltpu.CompilerParams(needs_layout_passes=False),
    scratch_types=[
        pltpu.VMEM((_A * _L,), jnp.float32),
        pltpu.VMEM((2, _GROUP, _L), jnp.int32),
        pltpu.VMEM((_ROWS_PER_W,), jnp.float32),
        pltpu.VMEM((_GROUP * _SKEW,), jnp.float32),
        pltpu.SemaphoreType.DMA((2,)),
        pltpu.SemaphoreType.DMA,
    ],
)


def kernel(x, logits):
    tbl_t = logits.T
    raw_sc = _gather_sum(x, tbl_t.reshape(-1))
    raw_tc, c = _tc_gather_sum(x, tbl_t)
    return jnp.concatenate([raw_tc[:, 0], raw_sc]) - c[0, 0]

# --- scband reference (transcript-rebuilt; emitter-appended) ---
"""Pipeline reference for scband-factorised-categorical-policy-59579786330736 (READ-ONLY COPY).

The authoritative reference and input builder live on the scoring server;
editing this copy changes nothing except your own understanding.
"""

import jax, jax.numpy as jnp
import numpy as np

B = 4096
L = 2048
A = 20

def setup_inputs(seed: int = 0) -> dict:
    key = jax.random.key(seed)
    k1, k2 = jax.random.split(key)
    x = jax.random.randint(k1, (B, L), 0, A, dtype=jnp.int32)
    logits = jax.random.normal(k2, (L, A), dtype=jnp.float32)
    return {"x": x, "logits": logits}

def reference(x, logits):
    # log_prob(x) = sum_i log softmax(logits[i])_{x_i}
    logp = jax.nn.log_softmax(logits, axis=-1)  # [L, A]
    pos = jnp.arange(logp.shape[0])             # [L]
    gathered = logp[pos[None, :], x]            # [B, L] gather
    return gathered.sum(axis=-1)                # [B]

if __name__ == "__main__":
    import jax
    _d = setup_inputs()
    print(jax.jit(kernel)(*tuple(_d.values())))

</pallas_src>

<mosaic_0001>
#map = affine_map<(d0, d1) -> (0, 0)>
#map1 = affine_map<(d0, d1) -> (0)>
module attributes {stable_mosaic.version = 14 : i64} {
  func.func @_gather_sum_body(%arg0: i32, %arg1: i32, %arg2: memref<4096x2048xi32, #tpu.memory_space<hbm>>, %arg3: memref<40960xf32, #tpu.memory_space<hbm>>, %arg4: memref<2560xf32, #tpu.memory_space<hbm>>, %arg5: memref<40960xf32, #tpu.memory_space<vmem>>, %arg6: memref<2x16x2048xi32, #tpu.memory_space<vmem>>, %arg7: memref<80xf32, #tpu.memory_space<vmem>>, %arg8: memref<272xf32, #tpu.memory_space<vmem>>, %arg9: memref<2x!tpu.dma_semaphore, #tpu.memory_space<semaphore_mem>>, %arg10: memref<!tpu.dma_semaphore, #tpu.memory_space<semaphore_mem>>) attributes {dimension_semantics = [#tpu.dimension_semantics<core_parallel>, #tpu.dimension_semantics<subcore_parallel>], iteration_bounds = array<i64: 2, 16>, scalar_prefetch = 0 : i64, scratch_operands = 6 : i64, tpu.core_type = #tpu.core_type<sc_vector_subcore>, window_params = [{transform_indices = #map}, {transform_indices = #map1}, {transform_indices = #map1}]} {
    %mul3A = arith.constant 2 : i32
    %mul3A_0 = arith.muli %arg1, %mul3A : i32
    %add3A = arith.addi %mul3A_0, %arg0 : i32
    %mul3A_1 = arith.constant 80 : i32
    %mul3A_2 = arith.muli %add3A, %mul3A_1 : i32
    tpu.enqueue_dma source(%arg3 : memref<40960xf32, #tpu.memory_space<hbm>>) target(%arg5 : memref<40960xf32, #tpu.memory_space<vmem>>) target_semaphore(%arg10 : memref<!tpu.dma_semaphore, #tpu.memory_space<semaphore_mem>>)
    %add3A_3 = arith.constant 1536 : i32
    %add3A_4 = arith.addi %add3A_3, %mul3A_2 : i32
    %add3A_5 = arith.constant 0 : i32
    %add3A_6 = arith.addi %add3A_4, %add3A_5 : i32
    %dma_start3A = arith.constant 0 : i32
    %dma_start3A_7 = arith.constant 0 : i32
    %dma_start3A_8 = arith.constant 0 : i32
    %dma_start3A_9 = arith.constant 0 : i32
    %dma_start3A_10 = tpu.memref_slice %arg6[%dma_start3A, %dma_start3A_8, %dma_start3A_9] : memref<2x16x2048xi32, #tpu.memory_space<vmem>> -> memref<1x16x2048xi32, #tpu.memory_space<vmem>>
    %dma_start3A_11 = tpu.memref_squeeze %dma_start3A_10 : memref<1x16x2048xi32, #tpu.memory_space<vmem>> -> memref<16x2048xi32, #tpu.memory_space<vmem>>
    %dma_start3A_12 = arith.constant 0 : i32
    %dma_start3A_13 = tpu.memref_slice %arg2[%add3A_6, %dma_start3A_12] : memref<4096x2048xi32, #tpu.memory_space<hbm>> -> memref<16x2048xi32, #tpu.memory_space<hbm>>
    %dma_start3A_14 = tpu.memref_slice %arg9[%dma_start3A_7] : memref<2x!tpu.dma_semaphore, #tpu.memory_space<semaphore_mem>> -> memref<1x!tpu.dma_semaphore, #tpu.memory_space<semaphore_mem>>
    %dma_start3A_15 = tpu.memref_squeeze %dma_start3A_14 : memref<1x!tpu.dma_semaphore, #tpu.memory_space<semaphore_mem>> -> memref<!tpu.dma_semaphore, #tpu.memory_space<semaphore_mem>>
    %dma_start3A_16 = arith.constant 0 : i32
    %dma_start3A_17 = arith.constant 0 : i32
    %dma_start3A_18 = tpu.memref_slice %arg6[%dma_start3A, %dma_start3A_16, %dma_start3A_17] : memref<2x16x2048xi32, #tpu.memory_space<vmem>> -> memref<1x16x2048xi32, #tpu.memory_space<vmem>>
    %dma_start3A_19 = tpu.memref_squeeze %dma_start3A_18 : memref<1x16x2048xi32, #tpu.memory_space<vmem>> -> memref<16x2048xi32, #tpu.memory_space<vmem>>
    %dma_start3A_20 = arith.constant 0 : i32
    %dma_start3A_21 = tpu.memref_slice %arg2[%add3A_6, %dma_start3A_20] : memref<4096x2048xi32, #tpu.memory_space<hbm>> -> memref<16x2048xi32, #tpu.memory_space<hbm>>
    tpu.enqueue_dma source(%dma_start3A_21 : memref<16x2048xi32, #tpu.memory_space<hbm>>) target(%dma_start3A_19 : memref<16x2048xi32, #tpu.memory_space<vmem>>) target_semaphore(%dma_start3A_15 : memref<!tpu.dma_semaphore, #tpu.memory_space<semaphore_mem>>)
    %iota3A = tpu.iota {dimensions = array<i32: 0>} : vector<16xi32>
    %broadcast_in_dim3A = arith.constant 0.000000e+00 : f32
    %broadcast_in_dim3A_22 = vector.broadcast %broadcast_in_dim3A : f32 to vector<16xf32>
    tpu.wait_dma2 semaphore(%arg10 : memref<!tpu.dma_semaphore, #tpu.memory_space<semaphore_mem>>) src(%arg3 : memref<40960xf32, #tpu.memory_space<hbm>>) dst(%arg5 : memref<40960xf32, #tpu.memory_space<vmem>>)
    %scan3A = arith.constant 0 : i32
    %scan3A_23 = arith.constant 0 : i32
    %scan3A_24 = arith.constant 5 : i32
    %scan3A_25 = arith.addi %scan3A_23, %scan3A_24 : i32
    %scan3A_26 = arith.constant 1 : i32
    %scan3A_27 = scf.for %scan3A_29 = %scan3A_23 to %scan3A_25 step %scan3A_26 iter_args(%scan3A_30 = %scan3A) -> (i32)  : i32 {
      %rem3A = arith.constant 2 : i32
      %rem3A_31 = arith.remsi %scan3A_29, %rem3A : i32
      %add3A_32 = arith.constant 1 : i32
      %add3A_33 = arith.addi %scan3A_29, %add3A_32 : i32
      %lt3A = arith.constant 5 : i32
      %lt3A_34 = arith.cmpi slt, %add3A_33, %lt3A : i32
      %convert_element_type3A = arith.extui %lt3A_34 : i1 to i32
      %cond3A = arith.constant 0 : i32
      %cond3A_35 = arith.cmpi ne, %convert_element_type3A, %cond3A : i32
      scf.if %cond3A_35 {
        %add3A_236 = arith.constant 1 : i32
        %add3A_237 = arith.addi %scan3A_29, %add3A_236 : i32
        %add3A_238 = arith.constant 1 : i32
        %add3A_239 = arith.addi %scan3A_29, %add3A_238 : i32
        %rem3A_240 = arith.constant 2 : i32
        %rem3A_241 = arith.remsi %add3A_239, %rem3A_240 : i32
        %add3A_242 = arith.constant 1536 : i32
        %add3A_243 = arith.addi %add3A_242, %mul3A_2 : i32
        %mul3A_244 = arith.constant 16 : i32
        %mul3A_245 = arith.muli %add3A_237, %mul3A_244 : i32
        %add3A_246 = arith.addi %add3A_243, %mul3A_245 : i32
        %dma_start3A_247 = arith.constant 0 : i32
        %dma_start3A_248 = arith.constant 0 : i32
        %dma_start3A_249 = tpu.memref_slice %arg6[%rem3A_241, %dma_start3A_247, %dma_start3A_248] : memref<2x16x2048xi32, #tpu.memory_space<vmem>> -> memref<1x16x2048xi32, #tpu.memory_space<vmem>>
        %dma_start3A_250 = tpu.memref_squeeze %dma_start3A_249 : memref<1x16x2048xi32, #tpu.memory_space<vmem>> -> memref<16x2048xi32, #tpu.memory_space<vmem>>
        %dma_start3A_251 = arith.constant 0 : i32
        %dma_start3A_252 = tpu.memref_slice %arg2[%add3A_246, %dma_start3A_251] : memref<4096x2048xi32, #tpu.memory_space<hbm>> -> memref<16x2048xi32, #tpu.memory_space<hbm>>
        %dma_start3A_253 = tpu.memref_slice %arg9[%rem3A_241] : memref<2x!tpu.dma_semaphore, #tpu.memory_space<semaphore_mem>> -> memref<1x!tpu.dma_semaphore, #tpu.memory_space<semaphore_mem>>
        %dma_start3A_254 = tpu.memref_squeeze %dma_start3A_253 : memref<1x!tpu.dma_semaphore, #tpu.memory_space<semaphore_mem>> -> memref<!tpu.dma_semaphore, #tpu.memory_space<semaphore_mem>>
        %dma_start3A_255 = arith.constant 0 : i32
        %dma_start3A_256 = arith.constant 0 : i32
        %dma_start3A_257 = tpu.memref_slice %arg6[%rem3A_241, %dma_start3A_255, %dma_start3A_256] : memref<2x16x2048xi32, #tpu.memory_space<vmem>> -> memref<1x16x2048xi32, #tpu.memory_space<vmem>>
        %dma_start3A_258 = tpu.memref_squeeze %dma_start3A_257 : memref<1x16x2048xi32, #tpu.memory_space<vmem>> -> memref<16x2048xi32, #tpu.memory_space<vmem>>
        %dma_start3A_259 = arith.constant 0 : i32
        %dma_start3A_260 = tpu.memref_slice %arg2[%add3A_246, %dma_start3A_259] : memref<4096x2048xi32, #tpu.memory_space<hbm>> -> memref<16x2048xi32, #tpu.memory_space<hbm>>
        tpu.enqueue_dma source(%dma_start3A_260 : memref<16x2048xi32, #tpu.memory_space<hbm>>) target(%dma_start3A_258 : memref<16x2048xi32, #tpu.memory_space<vmem>>) target_semaphore(%dma_start3A_254 : memref<!tpu.dma_semaphore, #tpu.memory_space<semaphore_mem>>)
      } else {
      }
      %add3A_36 = arith.constant 1536 : i32
      %add3A_37 = arith.addi %add3A_36, %mul3A_2 : i32
      %mul3A_38 = arith.constant 16 : i32
      %mul3A_39 = arith.muli %scan3A_29, %mul3A_38 : i32
      %add3A_40 = arith.addi %add3A_37, %mul3A_39 : i32
      %dma_wait3A = arith.constant 0 : i32
      %dma_wait3A_41 = arith.constant 0 : i32
      %dma_wait3A_42 = tpu.memref_slice %arg6[%rem3A_31, %dma_wait3A, %dma_wait3A_41] : memref<2x16x2048xi32, #tpu.memory_space<vmem>> -> memref<1x16x2048xi32, #tpu.memory_space<vmem>>
      %dma_wait3A_43 = tpu.memref_squeeze %dma_wait3A_42 : memref<1x16x2048xi32, #tpu.memory_space<vmem>> -> memref<16x2048xi32, #tpu.memory_space<vmem>>
      %dma_wait3A_44 = arith.constant 0 : i32
      %dma_wait3A_45 = tpu.memref_slice %arg2[%add3A_40, %dma_wait3A_44] : memref<4096x2048xi32, #tpu.memory_space<hbm>> -> memref<16x2048xi32, #tpu.memory_space<hbm>>
      %dma_wait3A_46 = tpu.memref_slice %arg9[%rem3A_31] : memref<2x!tpu.dma_semaphore, #tpu.memory_space<semaphore_mem>> -> memref<1x!tpu.dma_semaphore, #tpu.memory_space<semaphore_mem>>
      %dma_wait3A_47 = tpu.memref_squeeze %dma_wait3A_46 : memref<1x!tpu.dma_semaphore, #tpu.memory_space<semaphore_mem>> -> memref<!tpu.dma_semaphore, #tpu.memory_space<semaphore_mem>>
      %dma_wait3A_48 = arith.constant 0 : i32
      %dma_wait3A_49 = arith.constant 0 : i32
      %dma_wait3A_50 = tpu.memref_slice %arg6[%rem3A_31, %dma_wait3A_48, %dma_wait3A_49] : memref<2x16x2048xi32, #tpu.memory_space<vmem>> -> memref<1x16x2048xi32, #tpu.memory_space<vmem>>
      %dma_wait3A_51 = tpu.memref_squeeze %dma_wait3A_50 : memref<1x16x2048xi32, #tpu.memory_space<vmem>> -> memref<16x2048xi32, #tpu.memory_space<vmem>>
      %dma_wait3A_52 = arith.constant 0 : i32
      %dma_wait3A_53 = tpu.memref_slice %arg2[%add3A_40, %dma_wait3A_52] : memref<4096x2048xi32, #tpu.memory_space<hbm>> -> memref<16x2048xi32, #tpu.memory_space<hbm>>
      tpu.wait_dma2 semaphore(%dma_wait3A_47 : memref<!tpu.dma_semaphore, #tpu.memory_space<semaphore_mem>>) src(%dma_wait3A_53 : memref<16x2048xi32, #tpu.memory_space<hbm>>) dst(%dma_wait3A_51 : memref<16x2048xi32, #tpu.memory_space<vmem>>)
      %parallel_loop3A = arith.constant 0 : i32
      %parallel_loop3A_54 = arith.constant 128 : i32
      %parallel_loop3A_55 = arith.constant 1 : i32
      %parallel_loop3A_56:16 = scf.for %parallel_loop3A_236 = %parallel_loop3A to %parallel_loop3A_54 step %parallel_loop3A_55 iter_args(%parallel_loop3A_237 = %broadcast_in_dim3A_22, %parallel_loop3A_238 = %broadcast_in_dim3A_22, %parallel_loop3A_239 = %broadcast_in_dim3A_22, %parallel_loop3A_240 = %broadcast_in_dim3A_22, %parallel_loop3A_241 = %broadcast_in_dim3A_22, %parallel_loop3A_242 = %broadcast_in_dim3A_22, %parallel_loop3A_243 = %broadcast_in_dim3A_22, %parallel_loop3A_244 = %broadcast_in_dim3A_22, %parallel_loop3A_245 = %broadcast_in_dim3A_22, %parallel_loop3A_246 = %broadcast_in_dim3A_22, %parallel_loop3A_247 = %broadcast_in_dim3A_22, %parallel_loop3A_248 = %broadcast_in_dim3A_22, %parallel_loop3A_249 = %broadcast_in_dim3A_22, %parallel_loop3A_250 = %broadcast_in_dim3A_22, %parallel_loop3A_251 = %broadcast_in_dim3A_22, %parallel_loop3A_252 = %broadcast_in_dim3A_22) -> (vector<16xf32>, vector<16xf32>, vector<16xf32>, vector<16xf32>, vector<16xf32>, vector<16xf32>, vector<16xf32>, vector<16xf32>, vector<16xf32>, vector<16xf32>, vector<16xf32>, vector<16xf32>, vector<16xf32>, vector<16xf32>, vector<16xf32>, vector<16xf32>)  : i32 {
        %parallel_loop3A_253 = arith.constant 16 : i32
        %parallel_loop3A_254 = arith.muli %parallel_loop3A_236, %parallel_loop3A_253 : i32
        %parallel_loop3A_255 = vector.broadcast %parallel_loop3A_254 : i32 to vector<16xi32>
        %parallel_loop3A_256 = arith.addi %iota3A, %parallel_loop3A_255 : vector<16xi32>
        %parallel_loop3A_257 = arith.constant 16 : i32
        %parallel_loop3A_258 = arith.muli %parallel_loop3A_236, %parallel_loop3A_257 : i32
        %parallel_loop3A_259 = arith.constant 0 : i32
        %parallel_loop3A_260 = arith.index_cast %rem3A_31 : i32 to index
        %parallel_loop3A_261 = arith.index_cast %parallel_loop3A_259 : i32 to index
        %parallel_loop3A_262 = arith.index_cast %parallel_loop3A_258 : i32 to index
        %parallel_loop3A_263 = tpu.vector_load %arg6[%parallel_loop3A_260, %parallel_loop3A_261, %parallel_loop3A_262] {strides = array<i32>} : memref<2x16x2048xi32, #tpu.memory_space<vmem>>, vector<16xi32>,
        %parallel_loop3A_264 = arith.constant 11 : i32
        %parallel_loop3A_265 = vector.broadcast %parallel_loop3A_264 : i32 to vector<16xi32>
        %parallel_loop3A_266 = arith.shli %parallel_loop3A_263, %parallel_loop3A_265 : vector<16xi32>
        %parallel_loop3A_267 = arith.ori %parallel_loop3A_266, %parallel_loop3A_256 : vector<16xi32>
        %parallel_loop3A_268 = tpu.vector_load_idx %arg5[%parallel_loop3A_267] : memref<40960xf32, #tpu.memory_space<vmem>>[vector<16xi32>], vector<16xf32>,
        %parallel_loop3A_269 = arith.addf %parallel_loop3A_237, %parallel_loop3A_268 : vector<16xf32>
        %parallel_loop3A_270 = arith.constant 16 : i32
        %parallel_loop3A_271 = arith.muli %parallel_loop3A_236, %parallel_loop3A_270 : i32
        %parallel_loop3A_272 = arith.constant 1 : i32
        %parallel_loop3A_273 = arith.index_cast %rem3A_31 : i32 to index
        %parallel_loop3A_274 = arith.index_cast %parallel_loop3A_272 : i32 to index
        %parallel_loop3A_275 = arith.index_cast %parallel_loop3A_271 : i32 to index
        %parallel_loop3A_276 = tpu.vector_load %arg6[%parallel_loop3A_273, %parallel_loop3A_274, %parallel_loop3A_275] {strides = array<i32>} : memref<2x16x2048xi32, #tpu.memory_space<vmem>>, vector<16xi32>,
        %parallel_loop3A_277 = arith.constant 11 : i32
        %parallel_loop3A_278 = vector.broadcast %parallel_loop3A_277 : i32 to vector<16xi32>
        %parallel_loop3A_279 = arith.shli %parallel_loop3A_276, %parallel_loop3A_278 : vector<16xi32>
        %parallel_loop3A_280 = arith.ori %parallel_loop3A_279, %parallel_loop3A_256 : vector<16xi32>
        %parallel_loop3A_281 = tpu.vector_load_idx %arg5[%parallel_loop3A_280] : memref<40960xf32, #tpu.memory_space<vmem>>[vector<16xi32>], vector<16xf32>,
        %parallel_loop3A_282 = arith.addf %parallel_loop3A_238, %parallel_loop3A_281 : vector<16xf32>
        %parallel_loop3A_283 = arith.constant 16 : i32
        %parallel_loop3A_284 = arith.muli %parallel_loop3A_236, %parallel_loop3A_283 : i32
        %parallel_loop3A_285 = arith.constant 2 : i32
        %parallel_loop3A_286 = arith.index_cast %rem3A_31 : i32 to index
        %parallel_loop3A_287 = arith.index_cast %parallel_loop3A_285 : i32 to index
        %parallel_loop3A_288 = arith.index_cast %parallel_loop3A_284 : i32 to index
        %parallel_loop3A_289 = tpu.vector_load %arg6[%parallel_loop3A_286, %parallel_loop3A_287, %parallel_loop3A_288] {strides = array<i32>} : memref<2x16x2048xi32, #tpu.memory_space<vmem>>, vector<16xi32>,
        %parallel_loop3A_290 = arith.constant 11 : i32
        %parallel_loop3A_291 = vector.broadcast %parallel_loop3A_290 : i32 to vector<16xi32>
        %parallel_loop3A_292 = arith.shli %parallel_loop3A_289, %parallel_loop3A_291 : vector<16xi32>
        %parallel_loop3A_293 = arith.ori %parallel_loop3A_292, %parallel_loop3A_256 : vector<16xi32>
        %parallel_loop3A_294 = tpu.vector_load_idx %arg5[%parallel_loop3A_293] : memref<40960xf32, #tpu.memory_space<vmem>>[vector<16xi32>], vector<16xf32>,
        %parallel_loop3A_295 = arith.addf %parallel_loop3A_239, %parallel_loop3A_294 : vector<16xf32>
        %parallel_loop3A_296 = arith.constant 16 : i32
        %parallel_loop3A_297 = arith.muli %parallel_loop3A_236, %parallel_loop3A_296 : i32
        %parallel_loop3A_298 = arith.constant 3 : i32
        %parallel_loop3A_299 = arith.index_cast %rem3A_31 : i32 to index
        %parallel_loop3A_300 = arith.index_cast %parallel_loop3A_298 : i32 to index
        %parallel_loop3A_301 = arith.index_cast %parallel_loop3A_297 : i32 to index
        %parallel_loop3A_302 = tpu.vector_load %arg6[%parallel_loop3A_299, %parallel_loop3A_300, %parallel_loop3A_301] {strides = array<i32>} : memref<2x16x2048xi32, #tpu.memory_space<vmem>>, vector<16xi32>,
        %parallel_loop3A_303 = arith.constant 11 : i32
        %parallel_loop3A_304 = vector.broadcast %parallel_loop3A_303 : i32 to vector<16xi32>
        %parallel_loop3A_305 = arith.shli %parallel_loop3A_302, %parallel_loop3A_304 : vector<16xi32>
        %parallel_loop3A_306 = arith.ori %parallel_loop3A_305, %parallel_loop3A_256 : vector<16xi32>
        %parallel_loop3A_307 = tpu.vector_load_idx %arg5[%parallel_loop3A_306] : memref<40960xf32, #tpu.memory_space<vmem>>[vector<16xi32>], vector<16xf32>,
        %parallel_loop3A_308 = arith.addf %parallel_loop3A_240, %parallel_loop3A_307 : vector<16xf32>
        %parallel_loop3A_309 = arith.constant 16 : i32
        %parallel_loop3A_310 = arith.muli %parallel_loop3A_236, %parallel_loop3A_309 : i32
        %parallel_loop3A_311 = arith.constant 4 : i32
        %parallel_loop3A_312 = arith.index_cast %rem3A_31 : i32 to index
        %parallel_loop3A_313 = arith.index_cast %parallel_loop3A_311 : i32 to index
        %parallel_loop3A_314 = arith.index_cast %parallel_loop3A_310 : i32 to index
        %parallel_loop3A_315 = tpu.vector_load %arg6[%parallel_loop3A_312, %parallel_loop3A_313, %parallel_loop3A_314] {strides = array<i32>} : memref<2x16x2048xi32, #tpu.memory_space<vmem>>, vector<16xi32>,
        %parallel_loop3A_316 = arith.constant 11 : i32
        %parallel_loop3A_317 = vector.broadcast %parallel_loop3A_316 : i32 to vector<16xi32>
        %parallel_loop3A_318 = arith.shli %parallel_loop3A_315, %parallel_loop3A_317 : vector<16xi32>
        %parallel_loop3A_319 = arith.ori %parallel_loop3A_318, %parallel_loop3A_256 : vector<16xi32>
        %parallel_loop3A_320 = tpu.vector_load_idx %arg5[%parallel_loop3A_319] : memref<40960xf32, #tpu.memory_space<vmem>>[vector<16xi32>], vector<16xf32>,
        %parallel_loop3A_321 = arith.addf %parallel_loop3A_241, %parallel_loop3A_320 : vector<16xf32>
        %parallel_loop3A_322 = arith.constant 16 : i32
        %parallel_loop3A_323 = arith.muli %parallel_loop3A_236, %parallel_loop3A_322 : i32
        %parallel_loop3A_324 = arith.constant 5 : i32
        %parallel_loop3A_325 = arith.index_cast %rem3A_31 : i32 to index
        %parallel_loop3A_326 = arith.index_cast %parallel_loop3A_324 : i32 to index
        %parallel_loop3A_327 = arith.index_cast %parallel_loop3A_323 : i32 to index
        %parallel_loop3A_328 = tpu.vector_load %arg6[%parallel_loop3A_325, %parallel_loop3A_326, %parallel_loop3A_327] {strides = array<i32>} : memref<2x16x2048xi32, #tpu.memory_space<vmem>>, vector<16xi32>,
        %parallel_loop3A_329 = arith.constant 11 : i32
        %parallel_loop3A_330 = vector.broadcast %parallel_loop3A_329 : i32 to vector<16xi32>
        %parallel_loop3A_331 = arith.shli %parallel_loop3A_328, %parallel_loop3A_330 : vector<16xi32>
        %parallel_loop3A_332 = arith.ori %parallel_loop3A_331, %parallel_loop3A_256 : vector<16xi32>
        %parallel_loop3A_333 = tpu.vector_load_idx %arg5[%parallel_loop3A_332] : memref<40960xf32, #tpu.memory_space<vmem>>[vector<16xi32>], vector<16xf32>,
        %parallel_loop3A_334 = arith.addf %parallel_loop3A_242, %parallel_loop3A_333 : vector<16xf32>
        %parallel_loop3A_335 = arith.constant 16 : i32
        %parallel_loop3A_336 = arith.muli %parallel_loop3A_236, %parallel_loop3A_335 : i32
        %parallel_loop3A_337 = arith.constant 6 : i32
        %parallel_loop3A_338 = arith.index_cast %rem3A_31 : i32 to index
        %parallel_loop3A_339 = arith.index_cast %parallel_loop3A_337 : i32 to index
        %parallel_loop3A_340 = arith.index_cast %parallel_loop3A_336 : i32 to index
        %parallel_loop3A_341 = tpu.vector_load %arg6[%parallel_loop3A_338, %parallel_loop3A_339, %parallel_loop3A_340] {strides = array<i32>} : memref<2x16x2048xi32, #tpu.memory_space<vmem>>, vector<16xi32>,
        %parallel_loop3A_342 = arith.constant 11 : i32
        %parallel_loop3A_343 = vector.broadcast %parallel_loop3A_342 : i32 to vector<16xi32>
        %parallel_loop3A_344 = arith.shli %parallel_loop3A_341, %parallel_loop3A_343 : vector<16xi32>
        %parallel_loop3A_345 = arith.ori %parallel_loop3A_344, %parallel_loop3A_256 : vector<16xi32>
        %parallel_loop3A_346 = tpu.vector_load_idx %arg5[%parallel_loop3A_345] : memref<40960xf32, #tpu.memory_space<vmem>>[vector<16xi32>], vector<16xf32>,
        %parallel_loop3A_347 = arith.addf %parallel_loop3A_243, %parallel_loop3A_346 : vector<16xf32>
        %parallel_loop3A_348 = arith.constant 16 : i32
        %parallel_loop3A_349 = arith.muli %parallel_loop3A_236, %parallel_loop3A_348 : i32
        %parallel_loop3A_350 = arith.constant 7 : i32
        %parallel_loop3A_351 = arith.index_cast %rem3A_31 : i32 to index
        %parallel_loop3A_352 = arith.index_cast %parallel_loop3A_350 : i32 to index
        %parallel_loop3A_353 = arith.index_cast %parallel_loop3A_349 : i32 to index
        %parallel_loop3A_354 = tpu.vector_load %arg6[%parallel_loop3A_351, %parallel_loop3A_352, %parallel_loop3A_353] {strides = array<i32>} : memref<2x16x2048xi32, #tpu.memory_space<vmem>>, vector<16xi32>,
        %parallel_loop3A_355 = arith.constant 11 : i32
        %parallel_loop3A_356 = vector.broadcast %parallel_loop3A_355 : i32 to vector<16xi32>
        %parallel_loop3A_357 = arith.shli %parallel_loop3A_354, %parallel_loop3A_356 : vector<16xi32>
        %parallel_loop3A_358 = arith.ori %parallel_loop3A_357, %parallel_loop3A_256 : vector<16xi32>
        %parallel_loop3A_359 = tpu.vector_load_idx %arg5[%parallel_loop3A_358] : memref<40960xf32, #tpu.memory_space<vmem>>[vector<16xi32>], vector<16xf32>,
        %parallel_loop3A_360 = arith.addf %parallel_loop3A_244, %parallel_loop3A_359 : vector<16xf32>
        %parallel_loop3A_361 = arith.constant 16 : i32
        %parallel_loop3A_362 = arith.muli %parallel_loop3A_236, %parallel_loop3A_361 : i32
        %parallel_loop3A_363 = arith.constant 8 : i32
        %parallel_loop3A_364 = arith.index_cast %rem3A_31 : i32 to index
        %parallel_loop3A_365 = arith.index_cast %parallel_loop3A_363 : i32 to index
        %parallel_loop3A_366 = arith.index_cast %parallel_loop3A_362 : i32 to index
        %parallel_loop3A_367 = tpu.vector_load %arg6[%parallel_loop3A_364, %parallel_loop3A_365, %parallel_loop3A_366] {strides = array<i32>} : memref<2x16x2048xi32, #tpu.memory_space<vmem>>, vector<16xi32>,
        %parallel_loop3A_368 = arith.constant 11 : i32
        %parallel_loop3A_369 = vector.broadcast %parallel_loop3A_368 : i32 to vector<16xi32>
        %parallel_loop3A_370 = arith.shli %parallel_loop3A_367, %parallel_loop3A_369 : vector<16xi32>
        %parallel_loop3A_371 = arith.ori %parallel_loop3A_370, %parallel_loop3A_256 : vector<16xi32>
        %parallel_loop3A_372 = tpu.vector_load_idx %arg5[%parallel_loop3A_371] : memref<40960xf32, #tpu.memory_space<vmem>>[vector<16xi32>], vector<16xf32>,
        %parallel_loop3A_373 = arith.addf %parallel_loop3A_245, %parallel_loop3A_372 : vector<16xf32>
        %parallel_loop3A_374 = arith.constant 16 : i32
        %parallel_loop3A_375 = arith.muli %parallel_loop3A_236, %parallel_loop3A_374 : i32
        %parallel_loop3A_376 = arith.constant 9 : i32
        %parallel_loop3A_377 = arith.index_cast %rem3A_31 : i32 to index
        %parallel_loop3A_378 = arith.index_cast %parallel_loop3A_376 : i32 to index
        %parallel_loop3A_379 = arith.index_cast %parallel_loop3A_375 : i32 to index
        %parallel_loop3A_380 = tpu.vector_load %arg6[%parallel_loop3A_377, %parallel_loop3A_378, %parallel_loop3A_379] {strides = array<i32>} : memref<2x16x2048xi32, #tpu.memory_space<vmem>>, vector<16xi32>,
        %parallel_loop3A_381 = arith.constant 11 : i32
        %parallel_loop3A_382 = vector.broadcast %parallel_loop3A_381 : i32 to vector<16xi32>
        %parallel_loop3A_383 = arith.shli %parallel_loop3A_380, %parallel_loop3A_382 : vector<16xi32>
        %parallel_loop3A_384 = arith.ori %parallel_loop3A_383, %parallel_loop3A_256 : vector<16xi32>
        %parallel_loop3A_385 = tpu.vector_load_idx %arg5[%parallel_loop3A_384] : memref<40960xf32, #tpu.memory_space<vmem>>[vector<16xi32>], vector<16xf32>,
        %parallel_loop3A_386 = arith.addf %parallel_loop3A_246, %parallel_loop3A_385 : vector<16xf32>
        %parallel_loop3A_387 = arith.constant 16 : i32
        %parallel_loop3A_388 = arith.muli %parallel_loop3A_236, %parallel_loop3A_387 : i32
        %parallel_loop3A_389 = arith.constant 10 : i32
        %parallel_loop3A_390 = arith.index_cast %rem3A_31 : i32 to index
        %parallel_loop3A_391 = arith.index_cast %parallel_loop3A_389 : i32 to index
        %parallel_loop3A_392 = arith.index_cast %parallel_loop3A_388 : i32 to index
        %parallel_loop3A_393 = tpu.vector_load %arg6[%parallel_loop3A_390, %parallel_loop3A_391, %parallel_loop3A_392] {strides = array<i32>} : memref<2x16x2048xi32, #tpu.memory_space<vmem>>, vector<16xi32>,
        %parallel_loop3A_394 = arith.constant 11 : i32
        %parallel_loop3A_395 = vector.broadcast %parallel_loop3A_394 : i32 to vector<16xi32>
        %parallel_loop3A_396 = arith.shli %parallel_loop3A_393, %parallel_loop3A_395 : vector<16xi32>
        %parallel_loop3A_397 = arith.ori %parallel_loop3A_396, %parallel_loop3A_256 : vector<16xi32>
        %parallel_loop3A_398 = tpu.vector_load_idx %arg5[%parallel_loop3A_397] : memref<40960xf32, #tpu.memory_space<vmem>>[vector<16xi32>], vector<16xf32>,
        %parallel_loop3A_399 = arith.addf %parallel_loop3A_247, %parallel_loop3A_398 : vector<16xf32>
        %parallel_loop3A_400 = arith.constant 16 : i32
        %parallel_loop3A_401 = arith.muli %parallel_loop3A_236, %parallel_loop3A_400 : i32
        %parallel_loop3A_402 = arith.constant 11 : i32
        %parallel_loop3A_403 = arith.index_cast %rem3A_31 : i32 to index
        %parallel_loop3A_404 = arith.index_cast %parallel_loop3A_402 : i32 to index
        %parallel_loop3A_405 = arith.index_cast %parallel_loop3A_401 : i32 to index
        %parallel_loop3A_406 = tpu.vector_load %arg6[%parallel_loop3A_403, %parallel_loop3A_404, %parallel_loop3A_405] {strides = array<i32>} : memref<2x16x2048xi32, #tpu.memory_space<vmem>>, vector<16xi32>,
        %parallel_loop3A_407 = arith.constant 11 : i32
        %parallel_loop3A_408 = vector.broadcast %parallel_loop3A_407 : i32 to vector<16xi32>
        %parallel_loop3A_409 = arith.shli %parallel_loop3A_406, %parallel_loop3A_408 : vector<16xi32>
        %parallel_loop3A_410 = arith.ori %parallel_loop3A_409, %parallel_loop3A_256 : vector<16xi32>
        %parallel_loop3A_411 = tpu.vector_load_idx %arg5[%parallel_loop3A_410] : memref<40960xf32, #tpu.memory_space<vmem>>[vector<16xi32>], vector<16xf32>,
        %parallel_loop3A_412 = arith.addf %parallel_loop3A_248, %parallel_loop3A_411 : vector<16xf32>
        %parallel_loop3A_413 = arith.constant 16 : i32
        %parallel_loop3A_414 = arith.muli %parallel_loop3A_236, %parallel_loop3A_413 : i32
        %parallel_loop3A_415 = arith.constant 12 : i32
        %parallel_loop3A_416 = arith.index_cast %rem3A_31 : i32 to index
        %parallel_loop3A_417 = arith.index_cast %parallel_loop3A_415 : i32 to index
        %parallel_loop3A_418 = arith.index_cast %parallel_loop3A_414 : i32 to index
        %parallel_loop3A_419 = tpu.vector_load %arg6[%parallel_loop3A_416, %parallel_loop3A_417, %parallel_loop3A_418] {strides = array<i32>} : memref<2x16x2048xi32, #tpu.memory_space<vmem>>, vector<16xi32>,
        %parallel_loop3A_420 = arith.constant 11 : i32
        %parallel_loop3A_421 = vector.broadcast %parallel_loop3A_420 : i32 to vector<16xi32>
        %parallel_loop3A_422 = arith.shli %parallel_loop3A_419, %parallel_loop3A_421 : vector<16xi32>
        %parallel_loop3A_423 = arith.ori %parallel_loop3A_422, %parallel_loop3A_256 : vector<16xi32>
        %parallel_loop3A_424 = tpu.vector_load_idx %arg5[%parallel_loop3A_423] : memref<40960xf32, #tpu.memory_space<vmem>>[vector<16xi32>], vector<16xf32>,
        %parallel_loop3A_425 = arith.addf %parallel_loop3A_249, %parallel_loop3A_424 : vector<16xf32>
        %parallel_loop3A_426 = arith.constant 16 : i32
        %parallel_loop3A_427 = arith.muli %parallel_loop3A_236, %parallel_loop3A_426 : i32
        %parallel_loop3A_428 = arith.constant 13 : i32
        %parallel_loop3A_429 = arith.index_cast %rem3A_31 : i32 to index
        %parallel_loop3A_430 = arith.index_cast %parallel_loop3A_428 : i32 to index
        %parallel_loop3A_431 = arith.index_cast %parallel_loop3A_427 : i32 to index
        %parallel_loop3A_432 = tpu.vector_load %arg6[%parallel_loop3A_429, %parallel_loop3A_430, %parallel_loop3A_431] {strides = array<i32>} : memref<2x16x2048xi32, #tpu.memory_space<vmem>>, vector<16xi32>,
        %parallel_loop3A_433 = arith.constant 11 : i32
        %parallel_loop3A_434 = vector.broadcast %parallel_loop3A_433 : i32 to vector<16xi32>
        %parallel_loop3A_435 = arith.shli %parallel_loop3A_432, %parallel_loop3A_434 : vector<16xi32>
        %parallel_loop3A_436 = arith.ori %parallel_loop3A_435, %parallel_loop3A_256 : vector<16xi32>
        %parallel_loop3A_437 = tpu.vector_load_idx %arg5[%parallel_loop3A_436] : memref<40960xf32, #tpu.memory_space<vmem>>[vector<16xi32>], vector<16xf32>,
        %parallel_loop3A_438 = arith.addf %parallel_loop3A_250, %parallel_loop3A_437 : vector<16xf32>
        %parallel_loop3A_439 = arith.constant 16 : i32
        %parallel_loop3A_440 = arith.muli %parallel_loop3A_236, %parallel_loop3A_439 : i32
        %parallel_loop3A_441 = arith.constant 14 : i32
        %parallel_loop3A_442 = arith.index_cast %rem3A_31 : i32 to index
        %parallel_loop3A_443 = arith.index_cast %parallel_loop3A_441 : i32 to index
        %parallel_loop3A_444 = arith.index_cast %parallel_loop3A_440 : i32 to index
        %parallel_loop3A_445 = tpu.vector_load %arg6[%parallel_loop3A_442, %parallel_loop3A_443, %parallel_loop3A_444] {strides = array<i32>} : memref<2x16x2048xi32, #tpu.memory_space<vmem>>, vector<16xi32>,
        %parallel_loop3A_446 = arith.constant 11 : i32
        %parallel_loop3A_447 = vector.broadcast %parallel_loop3A_446 : i32 to vector<16xi32>
        %parallel_loop3A_448 = arith.shli %parallel_loop3A_445, %parallel_loop3A_447 : vector<16xi32>
        %parallel_loop3A_449 = arith.ori %parallel_loop3A_448, %parallel_loop3A_256 : vector<16xi32>
        %parallel_loop3A_450 = tpu.vector_load_idx %arg5[%parallel_loop3A_449] : memref<40960xf32, #tpu.memory_space<vmem>>[vector<16xi32>], vector<16xf32>,
        %parallel_loop3A_451 = arith.addf %parallel_loop3A_251, %parallel_loop3A_450 : vector<16xf32>
        %parallel_loop3A_452 = arith.constant 16 : i32
        %parallel_loop3A_453 = arith.muli %parallel_loop3A_236, %parallel_loop3A_452 : i32
        %parallel_loop3A_454 = arith.constant 15 : i32
        %parallel_loop3A_455 = arith.index_cast %rem3A_31 : i32 to index
        %parallel_loop3A_456 = arith.index_cast %parallel_loop3A_454 : i32 to index
        %parallel_loop3A_457 = arith.index_cast %parallel_loop3A_453 : i32 to index
        %parallel_loop3A_458 = tpu.vector_load %arg6[%parallel_loop3A_455, %parallel_loop3A_456, %parallel_loop3A_457] {strides = array<i32>} : memref<2x16x2048xi32, #tpu.memory_space<vmem>>, vector<16xi32>,
        %parallel_loop3A_459 = arith.constant 11 : i32
        %parallel_loop3A_460 = vector.broadcast %parallel_loop3A_459 : i32 to vector<16xi32>
        %parallel_loop3A_461 = arith.shli %parallel_loop3A_458, %parallel_loop3A_460 : vector<16xi32>
        %parallel_loop3A_462 = arith.ori %parallel_loop3A_461, %parallel_loop3A_256 : vector<16xi32>
        %parallel_loop3A_463 = tpu.vector_load_idx %arg5[%parallel_loop3A_462] : memref<40960xf32, #tpu.memory_space<vmem>>[vector<16xi32>], vector<16xf32>,
        %parallel_loop3A_464 = arith.addf %parallel_loop3A_252, %parallel_loop3A_463 : vector<16xf32>
        scf.yield %parallel_loop3A_269, %parallel_loop3A_282, %parallel_loop3A_295, %parallel_loop3A_308, %parallel_loop3A_321, %parallel_loop3A_334, %parallel_loop3A_347, %parallel_loop3A_360, %parallel_loop3A_373, %parallel_loop3A_386, %parallel_loop3A_399, %parallel_loop3A_412, %parallel_loop3A_425, %parallel_loop3A_438, %parallel_loop3A_451, %parallel_loop3A_464 : vector<16xf32>, vector<16xf32>, vector<16xf32>, vector<16xf32>, vector<16xf32>, vector<16xf32>, vector<16xf32>, vector<16xf32>, vector<16xf32>, vector<16xf32>, vector<16xf32>, vector<16xf32>, vector<16xf32>, vector<16xf32>, vector<16xf32>, vector<16xf32>
      } {sc.loop_unroll_factor = 1 : i64, sc.parallel_access}
      %add3A_57 = arith.constant 0 : i32
      %add3A_58 = vector.broadcast %add3A_57 : i32 to vector<16xi32>
      %add3A_59 = arith.addi %iota3A, %add3A_58 : vector<16xi32>
      tpu.vector_store_idx %arg8[%add3A_59], %parallel_loop3A_56#0 : memref<272xf32, #tpu.memory_space<vmem>>[vector<16xi32>], vector<16xf32>,
      %add3A_60 = arith.constant 17 : i32
      %add3A_61 = vector.broadcast %add3A_60 : i32 to vector<16xi32>
      %add3A_62 = arith.addi %iota3A, %add3A_61 : vector<16xi32>
      tpu.vector_store_idx %arg8[%add3A_62], %parallel_loop3A_56#1 : memref<272xf32, #tpu.memory_space<vmem>>[vector<16xi32>], vector<16xf32>,
      %add3A_63 = arith.constant 34 : i32
      %add3A_64 = vector.broadcast %add3A_63 : i32 to vector<16xi32>
      %add3A_65 = arith.addi %iota3A, %add3A_64 : vector<16xi32>
      tpu.vector_store_idx %arg8[%add3A_65], %parallel_loop3A_56#2 : memref<272xf32, #tpu.memory_space<vmem>>[vector<16xi32>], vector<16xf32>,
      %add3A_66 = arith.constant 51 : i32
      %add3A_67 = vector.broadcast %add3A_66 : i32 to vector<16xi32>
      %add3A_68 = arith.addi %iota3A, %add3A_67 : vector<16xi32>
      tpu.vector_store_idx %arg8[%add3A_68], %parallel_loop3A_56#3 : memref<272xf32, #tpu.memory_space<vmem>>[vector<16xi32>], vector<16xf32>,
      %add3A_69 = arith.constant 68 : i32
      %add3A_70 = vector.broadcast %add3A_69 : i32 to vector<16xi32>
      %add3A_71 = arith.addi %iota3A, %add3A_70 : vector<16xi32>
      tpu.vector_store_idx %arg8[%add3A_71], %parallel_loop3A_56#4 : memref<272xf32, #tpu.memory_space<vmem>>[vector<16xi32>], vector<16xf32>,
      %add3A_72 = arith.constant 85 : i32
      %add3A_73 = vector.broadcast %add3A_72 : i32 to vector<16xi32>
      %add3A_74 = arith.addi %iota3A, %add3A_73 : vector<16xi32>
      tpu.vector_store_idx %arg8[%add3A_74], %parallel_loop3A_56#5 : memref<272xf32, #tpu.memory_space<vmem>>[vector<16xi32>], vector<16xf32>,
      %add3A_75 = arith.constant 102 : i32
      %add3A_76 = vector.broadcast %add3A_75 : i32 to vector<16xi32>
      %add3A_77 = arith.addi %iota3A, %add3A_76 : vector<16xi32>
      tpu.vector_store_idx %arg8[%add3A_77], %parallel_loop3A_56#6 : memref<272xf32, #tpu.memory_space<vmem>>[vector<16xi32>], vector<16xf32>,
      %add3A_78 = arith.constant 119 : i32
      %add3A_79 = vector.broadcast %add3A_78 : i32 to vector<16xi32>
      %add3A_80 = arith.addi %iota3A, %add3A_79 : vector<16xi32>
      tpu.vector_store_idx %arg8[%add3A_80], %parallel_loop3A_56#7 : memref<272xf32, #tpu.memory_space<vmem>>[vector<16xi32>], vector<16xf32>,
      %add3A_81 = arith.constant 136 : i32
      %add3A_82 = vector.broadcast %add3A_81 : i32 to vector<16xi32>
      %add3A_83 = arith.addi %iota3A, %add3A_82 : vector<16xi32>
      tpu.vector_store_idx %arg8[%add3A_83], %parallel_loop3A_56#8 : memref<272xf32, #tpu.memory_space<vmem>>[vector<16xi32>], vector<16xf32>,
      %add3A_84 = arith.constant 153 : i32
      %add3A_85 = vector.broadcast %add3A_84 : i32 to vector<16xi32>
      %add3A_86 = arith.addi %iota3A, %add3A_85 : vector<16xi32>
      tpu.vector_store_idx %arg8[%add3A_86], %parallel_loop3A_56#9 : memref<272xf32, #tpu.memory_space<vmem>>[vector<16xi32>], vector<16xf32>,
      %add3A_87 = arith.constant 170 : i32
      %add3A_88 = vector.broadcast %add3A_87 : i32 to vector<16xi32>
      %add3A_89 = arith.addi %iota3A, %add3A_88 : vector<16xi32>
      tpu.vector_store_idx %arg8[%add3A_89], %parallel_loop3A_56#10 : memref<272xf32, #tpu.memory_space<vmem>>[vector<16xi32>], vector<16xf32>,
      %add3A_90 = arith.constant 187 : i32
      %add3A_91 = vector.broadcast %add3A_90 : i32 to vector<16xi32>
      %add3A_92 = arith.addi %iota3A, %add3A_91 : vector<16xi32>
      tpu.vector_store_idx %arg8[%add3A_92], %parallel_loop3A_56#11 : memref<272xf32, #tpu.memory_space<vmem>>[vector<16xi32>], vector<16xf32>,
      %add3A_93 = arith.constant 204 : i32
      %add3A_94 = vector.broadcast %add3A_93 : i32 to vector<16xi32>
      %add3A_95 = arith.addi %iota3A, %add3A_94 : vector<16xi32>
      tpu.vector_store_idx %arg8[%add3A_95], %parallel_loop3A_56#12 : memref<272xf32, #tpu.memory_space<vmem>>[vector<16xi32>], vector<16xf32>,
      %add3A_96 = arith.constant 221 : i32
      %add3A_97 = vector.broadcast %add3A_96 : i32 to vector<16xi32>
      %add3A_98 = arith.addi %iota3A, %add3A_97 : vector<16xi32>
      tpu.vector_store_idx %arg8[%add3A_98], %parallel_loop3A_56#13 : memref<272xf32, #tpu.memory_space<vmem>>[vector<16xi32>], vector<16xf32>,
      %add3A_99 = arith.constant 238 : i32
      %add3A_100 = vector.broadcast %add3A_99 : i32 to vector<16xi32>
      %add3A_101 = arith.addi %iota3A, %add3A_100 : vector<16xi32>
      tpu.vector_store_idx %arg8[%add3A_101], %parallel_loop3A_56#14 : memref<272xf32, #tpu.memory_space<vmem>>[vector<16xi32>], vector<16xf32>,
      %add3A_102 = arith.constant 255 : i32
      %add3A_103 = vector.broadcast %add3A_102 : i32 to vector<16xi32>
      %add3A_104 = arith.addi %iota3A, %add3A_103 : vector<16xi32>
      tpu.vector_store_idx %arg8[%add3A_104], %parallel_loop3A_56#15 : memref<272xf32, #tpu.memory_space<vmem>>[vector<16xi32>], vector<16xf32>,
      %mul3A_105 = arith.constant 17 : i32
      %mul3A_106 = vector.broadcast %mul3A_105 : i32 to vector<16xi32>
      %mul3A_107 = arith.muli %iota3A, %mul3A_106 : vector<16xi32>
      %add3A_108 = arith.constant 0 : i32
      %add3A_109 = vector.broadcast %add3A_108 : i32 to vector<16xi32>
      %add3A_110 = arith.addi %mul3A_107, %add3A_109 : vector<16xi32>
      %gather3A = tpu.vector_load_idx %arg8[%add3A_110] : memref<272xf32, #tpu.memory_space<vmem>>[vector<16xi32>], vector<16xf32>,
      %add3A_111 = arith.addf %broadcast_in_dim3A_22, %gather3A : vector<16xf32>
      %mul3A_112 = arith.constant 17 : i32
      %mul3A_113 = vector.broadcast %mul3A_112 : i32 to vector<16xi32>
      %mul3A_114 = arith.muli %iota3A, %mul3A_113 : vector<16xi32>
      %add3A_115 = arith.constant 1 : i32
      %add3A_116 = vector.broadcast %add3A_115 : i32 to vector<16xi32>
      %add3A_117 = arith.addi %mul3A_114, %add3A_116 : vector<16xi32>
      %gather3A_118 = tpu.vector_load_idx %arg8[%add3A_117] : memref<272xf32, #tpu.memory_space<vmem>>[vector<16xi32>], vector<16xf32>,
      %add3A_119 = arith.addf %add3A_111, %gather3A_118 : vector<16xf32>
      %mul3A_120 = arith.constant 17 : i32
      %mul3A_121 = vector.broadcast %mul3A_120 : i32 to vector<16xi32>
      %mul3A_122 = arith.muli %iota3A, %mul3A_121 : vector<16xi32>
      %add3A_123 = arith.constant 2 : i32
      %add3A_124 = vector.broadcast %add3A_123 : i32 to vector<16xi32>
      %add3A_125 = arith.addi %mul3A_122, %add3A_124 : vector<16xi32>
      %gather3A_126 = tpu.vector_load_idx %arg8[%add3A_125] : memref<272xf32, #tpu.memory_space<vmem>>[vector<16xi32>], vector<16xf32>,
      %add3A_127 = arith.addf %add3A_119, %gather3A_126 : vector<16xf32>
      %mul3A_128 = arith.constant 17 : i32
      %mul3A_129 = vector.broadcast %mul3A_128 : i32 to vector<16xi32>
      %mul3A_130 = arith.muli %iota3A, %mul3A_129 : vector<16xi32>
      %add3A_131 = arith.constant 3 : i32
      %add3A_132 = vector.broadcast %add3A_131 : i32 to vector<16xi32>
      %add3A_133 = arith.addi %mul3A_130, %add3A_132 : vector<16xi32>
      %gather3A_134 = tpu.vector_load_idx %arg8[%add3A_133] : memref<272xf32, #tpu.memory_space<vmem>>[vector<16xi32>], vector<16xf32>,
      %add3A_135 = arith.addf %add3A_127, %gather3A_134 : vector<16xf32>
      %mul3A_136 = arith.constant 17 : i32
      %mul3A_137 = vector.broadcast %mul3A_136 : i32 to vector<16xi32>
      %mul3A_138 = arith.muli %iota3A, %mul3A_137 : vector<16xi32>
      %add3A_139 = arith.constant 4 : i32
      %add3A_140 = vector.broadcast %add3A_139 : i32 to vector<16xi32>
      %add3A_141 = arith.addi %mul3A_138, %add3A_140 : vector<16xi32>
      %gather3A_142 = tpu.vector_load_idx %arg8[%add3A_141] : memref<272xf32, #tpu.memory_space<vmem>>[vector<16xi32>], vector<16xf32>,
      %add3A_143 = arith.addf %add3A_135, %gather3A_142 : vector<16xf32>
      %mul3A_144 = arith.constant 17 : i32
      %mul3A_145 = vector.broadcast %mul3A_144 : i32 to vector<16xi32>
      %mul3A_146 = arith.muli %iota3A, %mul3A_145 : vector<16xi32>
      %add3A_147 = arith.constant 5 : i32
      %add3A_148 = vector.broadcast %add3A_147 : i32 to vector<16xi32>
      %add3A_149 = arith.addi %mul3A_146, %add3A_148 : vector<16xi32>
      %gather3A_150 = tpu.vector_load_idx %arg8[%add3A_149] : memref<272xf32, #tpu.memory_space<vmem>>[vector<16xi32>], vector<16xf32>,
      %add3A_151 = arith.addf %add3A_143, %gather3A_150 : vector<16xf32>
      %mul3A_152 = arith.constant 17 : i32
      %mul3A_153 = vector.broadcast %mul3A_152 : i32 to vector<16xi32>
      %mul3A_154 = arith.muli %iota3A, %mul3A_153 : vector<16xi32>
      %add3A_155 = arith.constant 6 : i32
      %add3A_156 = vector.broadcast %add3A_155 : i32 to vector<16xi32>
      %add3A_157 = arith.addi %mul3A_154, %add3A_156 : vector<16xi32>
      %gather3A_158 = tpu.vector_load_idx %arg8[%add3A_157] : memref<272xf32, #tpu.memory_space<vmem>>[vector<16xi32>], vector<16xf32>,
      %add3A_159 = arith.addf %add3A_151, %gather3A_158 : vector<16xf32>
      %mul3A_160 = arith.constant 17 : i32
      %mul3A_161 = vector.broadcast %mul3A_160 : i32 to vector<16xi32>
      %mul3A_162 = arith.muli %iota3A, %mul3A_161 : vector<16xi32>
      %add3A_163 = arith.constant 7 : i32
      %add3A_164 = vector.broadcast %add3A_163 : i32 to vector<16xi32>
      %add3A_165 = arith.addi %mul3A_162, %add3A_164 : vector<16xi32>
      %gather3A_166 = tpu.vector_load_idx %arg8[%add3A_165] : memref<272xf32, #tpu.memory_space<vmem>>[vector<16xi32>], vector<16xf32>,
      %add3A_167 = arith.addf %add3A_159, %gather3A_166 : vector<16xf32>
      %mul3A_168 = arith.constant 17 : i32
      %mul3A_169 = vector.broadcast %mul3A_168 : i32 to vector<16xi32>
      %mul3A_170 = arith.muli %iota3A, %mul3A_169 : vector<16xi32>
      %add3A_171 = arith.constant 8 : i32
      %add3A_172 = vector.broadcast %add3A_171 : i32 to vector<16xi32>
      %add3A_173 = arith.addi %mul3A_170, %add3A_172 : vector<16xi32>
      %gather3A_174 = tpu.vector_load_idx %arg8[%add3A_173] : memref<272xf32, #tpu.memory_space<vmem>>[vector<16xi32>], vector<16xf32>,
      %add3A_175 = arith.addf %add3A_167, %gather3A_174 : vector<16xf32>
      %mul3A_176 = arith.constant 17 : i32
      %mul3A_177 = vector.broadcast %mul3A_176 : i32 to vector<16xi32>
      %mul3A_178 = arith.muli %iota3A, %mul3A_177 : vector<16xi32>
      %add3A_179 = arith.constant 9 : i32
      %add3A_180 = vector.broadcast %add3A_179 : i32 to vector<16xi32>
      %add3A_181 = arith.addi %mul3A_178, %add3A_180 : vector<16xi32>
      %gather3A_182 = tpu.vector_load_idx %arg8[%add3A_181] : memref<272xf32, #tpu.memory_space<vmem>>[vector<16xi32>], vector<16xf32>,
      %add3A_183 = arith.addf %add3A_175, %gather3A_182 : vector<16xf32>
      %mul3A_184 = arith.constant 17 : i32
      %mul3A_185 = vector.broadcast %mul3A_184 : i32 to vector<16xi32>
      %mul3A_186 = arith.muli %iota3A, %mul3A_185 : vector<16xi32>
      %add3A_187 = arith.constant 10 : i32
      %add3A_188 = vector.broadcast %add3A_187 : i32 to vector<16xi32>
      %add3A_189 = arith.addi %mul3A_186, %add3A_188 : vector<16xi32>
      %gather3A_190 = tpu.vector_load_idx %arg8[%add3A_189] : memref<272xf32, #tpu.memory_space<vmem>>[vector<16xi32>], vector<16xf32>,
      %add3A_191 = arith.addf %add3A_183, %gather3A_190 : vector<16xf32>
      %mul3A_192 = arith.constant 17 : i32
      %mul3A_193 = vector.broadcast %mul3A_192 : i32 to vector<16xi32>
      %mul3A_194 = arith.muli %iota3A, %mul3A_193 : vector<16xi32>
      %add3A_195 = arith.constant 11 : i32
      %add3A_196 = vector.broadcast %add3A_195 : i32 to vector<16xi32>
      %add3A_197 = arith.addi %mul3A_194, %add3A_196 : vector<16xi32>
      %gather3A_198 = tpu.vector_load_idx %arg8[%add3A_197] : memref<272xf32, #tpu.memory_space<vmem>>[vector<16xi32>], vector<16xf32>,
      %add3A_199 = arith.addf %add3A_191, %gather3A_198 : vector<16xf32>
      %mul3A_200 = arith.constant 17 : i32
      %mul3A_201 = vector.broadcast %mul3A_200 : i32 to vector<16xi32>
      %mul3A_202 = arith.muli %iota3A, %mul3A_201 : vector<16xi32>
      %add3A_203 = arith.constant 12 : i32
      %add3A_204 = vector.broadcast %add3A_203 : i32 to vector<16xi32>
      %add3A_205 = arith.addi %mul3A_202, %add3A_204 : vector<16xi32>
      %gather3A_206 = tpu.vector_load_idx %arg8[%add3A_205] : memref<272xf32, #tpu.memory_space<vmem>>[vector<16xi32>], vector<16xf32>,
      %add3A_207 = arith.addf %add3A_199, %gather3A_206 : vector<16xf32>
      %mul3A_208 = arith.constant 17 : i32
      %mul3A_209 = vector.broadcast %mul3A_208 : i32 to vector<16xi32>
      %mul3A_210 = arith.muli %iota3A, %mul3A_209 : vector<16xi32>
      %add3A_211 = arith.constant 13 : i32
      %add3A_212 = vector.broadcast %add3A_211 : i32 to vector<16xi32>
      %add3A_213 = arith.addi %mul3A_210, %add3A_212 : vector<16xi32>
      %gather3A_214 = tpu.vector_load_idx %arg8[%add3A_213] : memref<272xf32, #tpu.memory_space<vmem>>[vector<16xi32>], vector<16xf32>,
      %add3A_215 = arith.addf %add3A_207, %gather3A_214 : vector<16xf32>
      %mul3A_216 = arith.constant 17 : i32
      %mul3A_217 = vector.broadcast %mul3A_216 : i32 to vector<16xi32>
      %mul3A_218 = arith.muli %iota3A, %mul3A_217 : vector<16xi32>
      %add3A_219 = arith.constant 14 : i32
      %add3A_220 = vector.broadcast %add3A_219 : i32 to vector<16xi32>
      %add3A_221 = arith.addi %mul3A_218, %add3A_220 : vector<16xi32>
      %gather3A_222 = tpu.vector_load_idx %arg8[%add3A_221] : memref<272xf32, #tpu.memory_space<vmem>>[vector<16xi32>], vector<16xf32>,
      %add3A_223 = arith.addf %add3A_215, %gather3A_222 : vector<16xf32>
      %mul3A_224 = arith.constant 17 : i32
      %mul3A_225 = vector.broadcast %mul3A_224 : i32 to vector<16xi32>
      %mul3A_226 = arith.muli %iota3A, %mul3A_225 : vector<16xi32>
      %add3A_227 = arith.constant 15 : i32
      %add3A_228 = vector.broadcast %add3A_227 : i32 to vector<16xi32>
      %add3A_229 = arith.addi %mul3A_226, %add3A_228 : vector<16xi32>
      %gather3A_230 = tpu.vector_load_idx %arg8[%add3A_229] : memref<272xf32, #tpu.memory_space<vmem>>[vector<16xi32>], vector<16xf32>,
      %add3A_231 = arith.addf %add3A_223, %gather3A_230 : vector<16xf32>
      %mul3A_232 = arith.constant 16 : i32
      %mul3A_233 = arith.muli %scan3A_29, %mul3A_232 : i32
      %swap3A = arith.index_cast %mul3A_233 : i32 to index
      %swap3A_234 = tpu.vector_load %arg7[%swap3A] {strides = array<i32>} : memref<80xf32, #tpu.memory_space<vmem>>, vector<16xf32>,
      tpu.vector_store %arg7[%swap3A], %add3A_231 {strides = array<i32>} : memref<80xf32, #tpu.memory_space<vmem>>, vector<16xf32>,
      %scan3A_235 = arith.constant 0 : i32
      scf.yield %scan3A_235 : i32
    }
    %scan3A_28 = arith.constant 5 : i32
    "tpu.region"() ({
      %run_scoped3A = tpu.sem_alloc : memref<!tpu.dma_semaphore, #tpu.memory_space<semaphore_mem>>
      %dma_start3A_29 = tpu.memref_slice %arg4[%mul3A_2] : memref<2560xf32, #tpu.memory_space<hbm>> -> memref<80xf32, #tpu.memory_space<hbm>>
      %dma_start3A_30 = tpu.memref_slice %arg4[%mul3A_2] : memref<2560xf32, #tpu.memory_space<hbm>> -> memref<80xf32, #tpu.memory_space<hbm>>
      tpu.enqueue_dma source(%arg7 : memref<80xf32, #tpu.memory_space<vmem>>) target(%dma_start3A_30 : memref<80xf32, #tpu.memory_space<hbm>>) target_semaphore(%run_scoped3A : memref<!tpu.dma_semaphore, #tpu.memory_space<semaphore_mem>>)
      %dma_wait3A = tpu.memref_slice %arg4[%mul3A_2] : memref<2560xf32, #tpu.memory_space<hbm>> -> memref<80xf32, #tpu.memory_space<hbm>>
      %dma_wait3A_31 = tpu.memref_slice %arg4[%mul3A_2] : memref<2560xf32, #tpu.memory_space<hbm>> -> memref<80xf32, #tpu.memory_space<hbm>>
      tpu.wait_dma2 semaphore(%run_scoped3A : memref<!tpu.dma_semaphore, #tpu.memory_space<semaphore_mem>>) src(%arg7 : memref<80xf32, #tpu.memory_space<vmem>>) dst(%dma_wait3A_31 : memref<80xf32, #tpu.memory_space<hbm>>)
      tpu.yield
    }) : () -> ()
    return
  }
}

module attributes {stable_mosaic.version = 14 : i64} {
  func.func @_tc_gather_body(%arg0: i32, %arg1: memref<512x2048xi32, #tpu.memory_space<vmem>>, %arg2: memref<20x2048xf32, #tpu.memory_space<vmem>>, %arg3: memref<512x1xf32, #tpu.memory_space<vmem>>, %arg4: memref<1x1xf32, #tpu.memory_space<vmem>>) attributes {dimension_semantics = [#tpu.dimension_semantics<arbitrary>], iteration_bounds = array<i64: 3>, scalar_prefetch = 0 : i64, scratch_operands = 0 : i64, tpu.core_type = #tpu.core_type<tc>, window_params = [{transform_indices = @transform_0, window_bounds = array<i64: 512, 2048>}, {pipeline_mode = #tpu.pipeline_mode<synchronous>, transform_indices = @transform_1, window_bounds = array<i64: 20, 2048>}, {transform_indices = @transform_2, window_bounds = array<i64: 512, 1>}, {pipeline_mode = #tpu.pipeline_mode<synchronous>, transform_indices = @transform_3, window_bounds = array<i64: 1, 1>}]} {
    %get3A = arith.constant 0 : index
    %get3A_0 = arith.constant 0 : index
    %get3A_1 = vector.load %arg1[%get3A, %get3A_0] : memref<512x2048xi32, #tpu.memory_space<vmem>>, vector<512x2048xi32>
    %get3A_2 = arith.constant 0 : index
    %get3A_3 = arith.constant 0 : index
    %get3A_4 = vector.load %arg2[%get3A_2, %get3A_3] : memref<20x2048xf32, #tpu.memory_space<vmem>>, vector<1x2048xf32>
    %get3A_5 = vector.shape_cast %get3A_4 : vector<1x2048xf32> to vector<2048xf32>
    %reshape3A = vector.shape_cast %get3A_5 : vector<2048xf32> to vector<1x2048xf32>
    %get3A_6 = arith.constant 1 : index
    %get3A_7 = arith.constant 0 : index
    %get3A_8 = vector.load %arg2[%get3A_6, %get3A_7] : memref<20x2048xf32, #tpu.memory_space<vmem>>, vector<1x2048xf32>
    %get3A_9 = vector.shape_cast %get3A_8 : vector<1x2048xf32> to vector<2048xf32>
    %reshape3A_10 = vector.shape_cast %get3A_9 : vector<2048xf32> to vector<1x2048xf32>
    %get3A_11 = arith.constant 2 : index
    %get3A_12 = arith.constant 0 : index
    %get3A_13 = vector.load %arg2[%get3A_11, %get3A_12] : memref<20x2048xf32, #tpu.memory_space<vmem>>, vector<1x2048xf32>
    %get3A_14 = vector.shape_cast %get3A_13 : vector<1x2048xf32> to vector<2048xf32>
    %reshape3A_15 = vector.shape_cast %get3A_14 : vector<2048xf32> to vector<1x2048xf32>
    %get3A_16 = arith.constant 3 : index
    %get3A_17 = arith.constant 0 : index
    %get3A_18 = vector.load %arg2[%get3A_16, %get3A_17] : memref<20x2048xf32, #tpu.memory_space<vmem>>, vector<1x2048xf32>
    %get3A_19 = vector.shape_cast %get3A_18 : vector<1x2048xf32> to vector<2048xf32>
    %reshape3A_20 = vector.shape_cast %get3A_19 : vector<2048xf32> to vector<1x2048xf32>
    %get3A_21 = arith.constant 4 : index
    %get3A_22 = arith.constant 0 : index
    %get3A_23 = vector.load %arg2[%get3A_21, %get3A_22] : memref<20x2048xf32, #tpu.memory_space<vmem>>, vector<1x2048xf32>
    %get3A_24 = vector.shape_cast %get3A_23 : vector<1x2048xf32> to vector<2048xf32>
    %reshape3A_25 = vector.shape_cast %get3A_24 : vector<2048xf32> to vector<1x2048xf32>
    %get3A_26 = arith.constant 5 : index
    %get3A_27 = arith.constant 0 : index
    %get3A_28 = vector.load %arg2[%get3A_26, %get3A_27] : memref<20x2048xf32, #tpu.memory_space<vmem>>, vector<1x2048xf32>
    %get3A_29 = vector.shape_cast %get3A_28 : vector<1x2048xf32> to vector<2048xf32>
    %reshape3A_30 = vector.shape_cast %get3A_29 : vector<2048xf32> to vector<1x2048xf32>
    %get3A_31 = arith.constant 6 : index
    %get3A_32 = arith.constant 0 : index
    %get3A_33 = vector.load %arg2[%get3A_31, %get3A_32] : memref<20x2048xf32, #tpu.memory_space<vmem>>, vector<1x2048xf32>
    %get3A_34 = vector.shape_cast %get3A_33 : vector<1x2048xf32> to vector<2048xf32>
    %reshape3A_35 = vector.shape_cast %get3A_34 : vector<2048xf32> to vector<1x2048xf32>
    %get3A_36 = arith.constant 7 : index
    %get3A_37 = arith.constant 0 : index
    %get3A_38 = vector.load %arg2[%get3A_36, %get3A_37] : memref<20x2048xf32, #tpu.memory_space<vmem>>, vector<1x2048xf32>
    %get3A_39 = vector.shape_cast %get3A_38 : vector<1x2048xf32> to vector<2048xf32>
    %reshape3A_40 = vector.shape_cast %get3A_39 : vector<2048xf32> to vector<1x2048xf32>
    %get3A_41 = arith.constant 8 : index
    %get3A_42 = arith.constant 0 : index
    %get3A_43 = vector.load %arg2[%get3A_41, %get3A_42] : memref<20x2048xf32, #tpu.memory_space<vmem>>, vector<1x2048xf32>
    %get3A_44 = vector.shape_cast %get3A_43 : vector<1x2048xf32> to vector<2048xf32>
    %reshape3A_45 = vector.shape_cast %get3A_44 : vector<2048xf32> to vector<1x2048xf32>
    %get3A_46 = arith.constant 9 : index
    %get3A_47 = arith.constant 0 : index
    %get3A_48 = vector.load %arg2[%get3A_46, %get3A_47] : memref<20x2048xf32, #tpu.memory_space<vmem>>, vector<1x2048xf32>
    %get3A_49 = vector.shape_cast %get3A_48 : vector<1x2048xf32> to vector<2048xf32>
    %reshape3A_50 = vector.shape_cast %get3A_49 : vector<2048xf32> to vector<1x2048xf32>
    %get3A_51 = arith.constant 10 : index
    %get3A_52 = arith.constant 0 : index
    %get3A_53 = vector.load %arg2[%get3A_51, %get3A_52] : memref<20x2048xf32, #tpu.memory_space<vmem>>, vector<1x2048xf32>
    %get3A_54 = vector.shape_cast %get3A_53 : vector<1x2048xf32> to vector<2048xf32>
    %reshape3A_55 = vector.shape_cast %get3A_54 : vector<2048xf32> to vector<1x2048xf32>
    %get3A_56 = arith.constant 11 : index
    %get3A_57 = arith.constant 0 : index
    %get3A_58 = vector.load %arg2[%get3A_56, %get3A_57] : memref<20x2048xf32, #tpu.memory_space<vmem>>, vector<1x2048xf32>
    %get3A_59 = vector.shape_cast %get3A_58 : vector<1x2048xf32> to vector<2048xf32>
    %reshape3A_60 = vector.shape_cast %get3A_59 : vector<2048xf32> to vector<1x2048xf32>
    %get3A_61 = arith.constant 12 : index
    %get3A_62 = arith.constant 0 : index
    %get3A_63 = vector.load %arg2[%get3A_61, %get3A_62] : memref<20x2048xf32, #tpu.memory_space<vmem>>, vector<1x2048xf32>
    %get3A_64 = vector.shape_cast %get3A_63 : vector<1x2048xf32> to vector<2048xf32>
    %reshape3A_65 = vector.shape_cast %get3A_64 : vector<2048xf32> to vector<1x2048xf32>
    %get3A_66 = arith.constant 13 : index
    %get3A_67 = arith.constant 0 : index
    %get3A_68 = vector.load %arg2[%get3A_66, %get3A_67] : memref<20x2048xf32, #tpu.memory_space<vmem>>, vector<1x2048xf32>
    %get3A_69 = vector.shape_cast %get3A_68 : vector<1x2048xf32> to vector<2048xf32>
    %reshape3A_70 = vector.shape_cast %get3A_69 : vector<2048xf32> to vector<1x2048xf32>
    %get3A_71 = arith.constant 14 : index
    %get3A_72 = arith.constant 0 : index
    %get3A_73 = vector.load %arg2[%get3A_71, %get3A_72] : memref<20x2048xf32, #tpu.memory_space<vmem>>, vector<1x2048xf32>
    %get3A_74 = vector.shape_cast %get3A_73 : vector<1x2048xf32> to vector<2048xf32>
    %reshape3A_75 = vector.shape_cast %get3A_74 : vector<2048xf32> to vector<1x2048xf32>
    %get3A_76 = arith.constant 15 : index
    %get3A_77 = arith.constant 0 : index
    %get3A_78 = vector.load %arg2[%get3A_76, %get3A_77] : memref<20x2048xf32, #tpu.memory_space<vmem>>, vector<1x2048xf32>
    %get3A_79 = vector.shape_cast %get3A_78 : vector<1x2048xf32> to vector<2048xf32>
    %reshape3A_80 = vector.shape_cast %get3A_79 : vector<2048xf32> to vector<1x2048xf32>
    %get3A_81 = arith.constant 16 : index
    %get3A_82 = arith.constant 0 : index
    %get3A_83 = vector.load %arg2[%get3A_81, %get3A_82] : memref<20x2048xf32, #tpu.memory_space<vmem>>, vector<1x2048xf32>
    %get3A_84 = vector.shape_cast %get3A_83 : vector<1x2048xf32> to vector<2048xf32>
    %reshape3A_85 = vector.shape_cast %get3A_84 : vector<2048xf32> to vector<1x2048xf32>
    %get3A_86 = arith.constant 17 : index
    %get3A_87 = arith.constant 0 : index
    %get3A_88 = vector.load %arg2[%get3A_86, %get3A_87] : memref<20x2048xf32, #tpu.memory_space<vmem>>, vector<1x2048xf32>
    %get3A_89 = vector.shape_cast %get3A_88 : vector<1x2048xf32> to vector<2048xf32>
    %reshape3A_90 = vector.shape_cast %get3A_89 : vector<2048xf32> to vector<1x2048xf32>
    %get3A_91 = arith.constant 18 : index
    %get3A_92 = arith.constant 0 : index
    %get3A_93 = vector.load %arg2[%get3A_91, %get3A_92] : memref<20x2048xf32, #tpu.memory_space<vmem>>, vector<1x2048xf32>
    %get3A_94 = vector.shape_cast %get3A_93 : vector<1x2048xf32> to vector<2048xf32>
    %reshape3A_95 = vector.shape_cast %get3A_94 : vector<2048xf32> to vector<1x2048xf32>
    %get3A_96 = arith.constant 19 : index
    %get3A_97 = arith.constant 0 : index
    %get3A_98 = vector.load %arg2[%get3A_96, %get3A_97] : memref<20x2048xf32, #tpu.memory_space<vmem>>, vector<1x2048xf32>
    %get3A_99 = vector.shape_cast %get3A_98 : vector<1x2048xf32> to vector<2048xf32>
    %reshape3A_100 = vector.shape_cast %get3A_99 : vector<2048xf32> to vector<1x2048xf32>
    %and3A = arith.constant 1 : i32
    %and3A_101 = vector.broadcast %and3A : i32 to vector<512x2048xi32>
    %and3A_102 = arith.andi %get3A_1, %and3A_101 : vector<512x2048xi32>
    %ne3A = arith.constant 0 : i32
    %ne3A_103 = vector.broadcast %ne3A : i32 to vector<512x2048xi32>
    %ne3A_104 = arith.cmpi ne, %and3A_102, %ne3A_103 : vector<512x2048xi32>
    %and3A_105 = arith.constant 2 : i32
    %and3A_106 = vector.broadcast %and3A_105 : i32 to vector<512x2048xi32>
    %and3A_107 = arith.andi %get3A_1, %and3A_106 : vector<512x2048xi32>
    %ne3A_108 = arith.constant 0 : i32
    %ne3A_109 = vector.broadcast %ne3A_108 : i32 to vector<512x2048xi32>
    %ne3A_110 = arith.cmpi ne, %and3A_107, %ne3A_109 : vector<512x2048xi32>
    %and3A_111 = arith.constant 4 : i32
    %and3A_112 = vector.broadcast %and3A_111 : i32 to vector<512x2048xi32>
    %and3A_113 = arith.andi %get3A_1, %and3A_112 : vector<512x2048xi32>
    %ne3A_114 = arith.constant 0 : i32
    %ne3A_115 = vector.broadcast %ne3A_114 : i32 to vector<512x2048xi32>
    %ne3A_116 = arith.cmpi ne, %and3A_113, %ne3A_115 : vector<512x2048xi32>
    %and3A_117 = arith.constant 8 : i32
    %and3A_118 = vector.broadcast %and3A_117 : i32 to vector<512x2048xi32>
    %and3A_119 = arith.andi %get3A_1, %and3A_118 : vector<512x2048xi32>
    %ne3A_120 = arith.constant 0 : i32
    %ne3A_121 = vector.broadcast %ne3A_120 : i32 to vector<512x2048xi32>
    %ne3A_122 = arith.cmpi ne, %and3A_119, %ne3A_121 : vector<512x2048xi32>
    %and3A_123 = arith.constant 16 : i32
    %and3A_124 = vector.broadcast %and3A_123 : i32 to vector<512x2048xi32>
    %and3A_125 = arith.andi %get3A_1, %and3A_124 : vector<512x2048xi32>
    %ne3A_126 = arith.constant 0 : i32
    %ne3A_127 = vector.broadcast %ne3A_126 : i32 to vector<512x2048xi32>
    %ne3A_128 = arith.cmpi ne, %and3A_125, %ne3A_127 : vector<512x2048xi32>
    %broadcast_in_dim3A = vector.shape_cast %reshape3A_10 : vector<1x2048xf32> to vector<1x2048xf32>
    %broadcast_in_dim3A_129 = vector.broadcast %broadcast_in_dim3A : vector<1x2048xf32> to vector<512x2048xf32>
    %broadcast_in_dim3A_130 = vector.shape_cast %reshape3A : vector<1x2048xf32> to vector<1x2048xf32>
    %broadcast_in_dim3A_131 = vector.broadcast %broadcast_in_dim3A_130 : vector<1x2048xf32> to vector<512x2048xf32>
    %select_n3A = arith.select %ne3A_104, %broadcast_in_dim3A_129, %broadcast_in_dim3A_131 : vector<512x2048xi1>, vector<512x2048xf32>
    %broadcast_in_dim3A_132 = vector.shape_cast %reshape3A_20 : vector<1x2048xf32> to vector<1x2048xf32>
    %broadcast_in_dim3A_133 = vector.broadcast %broadcast_in_dim3A_132 : vector<1x2048xf32> to vector<512x2048xf32>
    %broadcast_in_dim3A_134 = vector.shape_cast %reshape3A_15 : vector<1x2048xf32> to vector<1x2048xf32>
    %broadcast_in_dim3A_135 = vector.broadcast %broadcast_in_dim3A_134 : vector<1x2048xf32> to vector<512x2048xf32>
    %select_n3A_136 = arith.select %ne3A_104, %broadcast_in_dim3A_133, %broadcast_in_dim3A_135 : vector<512x2048xi1>, vector<512x2048xf32>
    %broadcast_in_dim3A_137 = vector.shape_cast %reshape3A_30 : vector<1x2048xf32> to vector<1x2048xf32>
    %broadcast_in_dim3A_138 = vector.broadcast %broadcast_in_dim3A_137 : vector<1x2048xf32> to vector<512x2048xf32>
    %broadcast_in_dim3A_139 = vector.shape_cast %reshape3A_25 : vector<1x2048xf32> to vector<1x2048xf32>
    %broadcast_in_dim3A_140 = vector.broadcast %broadcast_in_dim3A_139 : vector<1x2048xf32> to vector<512x2048xf32>
    %select_n3A_141 = arith.select %ne3A_104, %broadcast_in_dim3A_138, %broadcast_in_dim3A_140 : vector<512x2048xi1>, vector<512x2048xf32>
    %broadcast_in_dim3A_142 = vector.shape_cast %reshape3A_40 : vector<1x2048xf32> to vector<1x2048xf32>
    %broadcast_in_dim3A_143 = vector.broadcast %broadcast_in_dim3A_142 : vector<1x2048xf32> to vector<512x2048xf32>
    %broadcast_in_dim3A_144 = vector.shape_cast %reshape3A_35 : vector<1x2048xf32> to vector<1x2048xf32>
    %broadcast_in_dim3A_145 = vector.broadcast %broadcast_in_dim3A_144 : vector<1x2048xf32> to vector<512x2048xf32>
    %select_n3A_146 = arith.select %ne3A_104, %broadcast_in_dim3A_143, %broadcast_in_dim3A_145 : vector<512x2048xi1>, vector<512x2048xf32>
    %broadcast_in_dim3A_147 = vector.shape_cast %reshape3A_50 : vector<1x2048xf32> to vector<1x2048xf32>
    %broadcast_in_dim3A_148 = vector.broadcast %broadcast_in_dim3A_147 : vector<1x2048xf32> to vector<512x2048xf32>
    %broadcast_in_dim3A_149 = vector.shape_cast %reshape3A_45 : vector<1x2048xf32> to vector<1x2048xf32>
    %broadcast_in_dim3A_150 = vector.broadcast %broadcast_in_dim3A_149 : vector<1x2048xf32> to vector<512x2048xf32>
    %select_n3A_151 = arith.select %ne3A_104, %broadcast_in_dim3A_148, %broadcast_in_dim3A_150 : vector<512x2048xi1>, vector<512x2048xf32>
    %broadcast_in_dim3A_152 = vector.shape_cast %reshape3A_60 : vector<1x2048xf32> to vector<1x2048xf32>
    %broadcast_in_dim3A_153 = vector.broadcast %broadcast_in_dim3A_152 : vector<1x2048xf32> to vector<512x2048xf32>
    %broadcast_in_dim3A_154 = vector.shape_cast %reshape3A_55 : vector<1x2048xf32> to vector<1x2048xf32>
    %broadcast_in_dim3A_155 = vector.broadcast %broadcast_in_dim3A_154 : vector<1x2048xf32> to vector<512x2048xf32>
    %select_n3A_156 = arith.select %ne3A_104, %broadcast_in_dim3A_153, %broadcast_in_dim3A_155 : vector<512x2048xi1>, vector<512x2048xf32>
    %broadcast_in_dim3A_157 = vector.shape_cast %reshape3A_70 : vector<1x2048xf32> to vector<1x2048xf32>
    %broadcast_in_dim3A_158 = vector.broadcast %broadcast_in_dim3A_157 : vector<1x2048xf32> to vector<512x2048xf32>
    %broadcast_in_dim3A_159 = vector.shape_cast %reshape3A_65 : vector<1x2048xf32> to vector<1x2048xf32>
    %broadcast_in_dim3A_160 = vector.broadcast %broadcast_in_dim3A_159 : vector<1x2048xf32> to vector<512x2048xf32>
    %select_n3A_161 = arith.select %ne3A_104, %broadcast_in_dim3A_158, %broadcast_in_dim3A_160 : vector<512x2048xi1>, vector<512x2048xf32>
    %broadcast_in_dim3A_162 = vector.shape_cast %reshape3A_80 : vector<1x2048xf32> to vector<1x2048xf32>
    %broadcast_in_dim3A_163 = vector.broadcast %broadcast_in_dim3A_162 : vector<1x2048xf32> to vector<512x2048xf32>
    %broadcast_in_dim3A_164 = vector.shape_cast %reshape3A_75 : vector<1x2048xf32> to vector<1x2048xf32>
    %broadcast_in_dim3A_165 = vector.broadcast %broadcast_in_dim3A_164 : vector<1x2048xf32> to vector<512x2048xf32>
    %select_n3A_166 = arith.select %ne3A_104, %broadcast_in_dim3A_163, %broadcast_in_dim3A_165 : vector<512x2048xi1>, vector<512x2048xf32>
    %broadcast_in_dim3A_167 = vector.shape_cast %reshape3A_90 : vector<1x2048xf32> to vector<1x2048xf32>
    %broadcast_in_dim3A_168 = vector.broadcast %broadcast_in_dim3A_167 : vector<1x2048xf32> to vector<512x2048xf32>
    %broadcast_in_dim3A_169 = vector.shape_cast %reshape3A_85 : vector<1x2048xf32> to vector<1x2048xf32>
    %broadcast_in_dim3A_170 = vector.broadcast %broadcast_in_dim3A_169 : vector<1x2048xf32> to vector<512x2048xf32>
    %select_n3A_171 = arith.select %ne3A_104, %broadcast_in_dim3A_168, %broadcast_in_dim3A_170 : vector<512x2048xi1>, vector<512x2048xf32>
    %broadcast_in_dim3A_172 = vector.shape_cast %reshape3A_100 : vector<1x2048xf32> to vector<1x2048xf32>
    %broadcast_in_dim3A_173 = vector.broadcast %broadcast_in_dim3A_172 : vector<1x2048xf32> to vector<512x2048xf32>
    %broadcast_in_dim3A_174 = vector.shape_cast %reshape3A_95 : vector<1x2048xf32> to vector<1x2048xf32>
    %broadcast_in_dim3A_175 = vector.broadcast %broadcast_in_dim3A_174 : vector<1x2048xf32> to vector<512x2048xf32>
    %select_n3A_176 = arith.select %ne3A_104, %broadcast_in_dim3A_173, %broadcast_in_dim3A_175 : vector<512x2048xi1>, vector<512x2048xf32>
    %select_n3A_177 = arith.select %ne3A_110, %select_n3A_136, %select_n3A : vector<512x2048xi1>, vector<512x2048xf32>
    %select_n3A_178 = arith.select %ne3A_110, %select_n3A_146, %select_n3A_141 : vector<512x2048xi1>, vector<512x2048xf32>
    %select_n3A_179 = arith.select %ne3A_110, %select_n3A_156, %select_n3A_151 : vector<512x2048xi1>, vector<512x2048xf32>
    %select_n3A_180 = arith.select %ne3A_110, %select_n3A_166, %select_n3A_161 : vector<512x2048xi1>, vector<512x2048xf32>
    %select_n3A_181 = arith.select %ne3A_110, %select_n3A_176, %select_n3A_171 : vector<512x2048xi1>, vector<512x2048xf32>
    %select_n3A_182 = arith.select %ne3A_116, %select_n3A_178, %select_n3A_177 : vector<512x2048xi1>, vector<512x2048xf32>
    %select_n3A_183 = arith.select %ne3A_116, %select_n3A_180, %select_n3A_179 : vector<512x2048xi1>, vector<512x2048xf32>
    %select_n3A_184 = arith.select %ne3A_122, %select_n3A_183, %select_n3A_182 : vector<512x2048xi1>, vector<512x2048xf32>
    %select_n3A_185 = arith.select %ne3A_128, %select_n3A_181, %select_n3A_184 : vector<512x2048xi1>, vector<512x2048xf32>
    %reduce_sum3A = arith.constant dense<0.000000e+00> : vector<512xf32>
    %reduce_sum3A_186 = vector.multi_reduction <add>, %select_n3A_185, %reduce_sum3A [1] : vector<512x2048xf32> to vector<512xf32>
    %broadcast_in_dim3A_187 = vector.shape_cast %reduce_sum3A_186 : vector<512xf32> to vector<512x1xf32>
    %swap3A = arith.constant 0 : index
    %swap3A_188 = arith.constant 0 : index
    %swap3A_189 = vector.load %arg3[%swap3A, %swap3A_188] : memref<512x1xf32, #tpu.memory_space<vmem>>, vector<512x1xf32>
    tpu.vector_store %arg3[%swap3A, %swap3A_188], %broadcast_in_dim3A_187 {strides = array<i32>} : memref<512x1xf32, #tpu.memory_space<vmem>>, vector<512x1xf32>,
    %eq3A = arith.constant 0 : i32
    %eq3A_190 = arith.cmpi eq, %arg0, %eq3A : i32
    %convert_element_type3A = arith.extui %eq3A_190 : i1 to i32
    %cond3A = arith.constant 0 : i32
    %cond3A_191 = arith.cmpi ne, %convert_element_type3A, %cond3A : i32
    scf.if %cond3A_191 {
      %get3A_192 = arith.constant 0 : index
      %get3A_193 = arith.constant 0 : index
      %get3A_194 = vector.load %arg2[%get3A_192, %get3A_193] : memref<20x2048xf32, #tpu.memory_space<vmem>>, vector<20x2048xf32>
      %reduce_max3A = arith.constant dense<0xFF800000> : vector<2048xf32>
      %reduce_max3A_195 = vector.multi_reduction <maximumf>, %get3A_194, %reduce_max3A [0] : vector<20x2048xf32> to vector<2048xf32>
      %broadcast_in_dim3A_196 = vector.shape_cast %reduce_max3A_195 : vector<2048xf32> to vector<1x2048xf32>
      %sub3A = vector.broadcast %broadcast_in_dim3A_196 : vector<1x2048xf32> to vector<20x2048xf32>
      %sub3A_197 = arith.subf %get3A_194, %sub3A : vector<20x2048xf32>
      %exp3A = math.exp %sub3A_197 : vector<20x2048xf32>
      %reduce_sum3A_198 = arith.constant dense<0.000000e+00> : vector<2048xf32>
      %reduce_sum3A_199 = vector.multi_reduction <add>, %exp3A, %reduce_sum3A_198 [0] : vector<20x2048xf32> to vector<2048xf32>
      %broadcast_in_dim3A_200 = vector.shape_cast %reduce_sum3A_199 : vector<2048xf32> to vector<1x2048xf32>
      %log3A = math.log %broadcast_in_dim3A_200 : vector<1x2048xf32>
      %add3A = arith.addf %broadcast_in_dim3A_196, %log3A : vector<1x2048xf32>
      %reduce_sum3A_201 = vector.shape_cast %add3A : vector<1x2048xf32> to vector<1x1x2048xf32>
      %reduce_sum3A_202 = arith.constant dense<0.000000e+00> : vector<1xf32>
      %reduce_sum3A_203 = vector.multi_reduction <add>, %reduce_sum3A_201, %reduce_sum3A_202 [1, 2] : vector<1x1x2048xf32> to vector<1xf32>
      %reduce_sum3A_204 = vector.shape_cast %reduce_sum3A_203 : vector<1xf32> to vector<1x1x1xf32>
      %reduce_sum3A_205 = vector.extract %reduce_sum3A_204[0, 0, 0] : f32 from vector<1x1x1xf32>
      %reshape3A_206 = vector.broadcast %reduce_sum3A_205 : f32 to vector<1x1xf32>
      %swap3A_207 = arith.constant 0 : index
      %swap3A_208 = arith.constant 0 : index
      %swap3A_209 = vector.load %arg4[%swap3A_207, %swap3A_208] : memref<1x1xf32, #tpu.memory_space<vmem>>, vector<1x1xf32>
      tpu.vector_store %arg4[%swap3A_207, %swap3A_208], %reshape3A_206 {strides = array<i32>} : memref<1x1xf32, #tpu.memory_space<vmem>>, vector<1x1xf32>,
    } else {
    }
    return
  }
  func.func @transform_0(%arg0: i32) -> (i32, i32) {
    %c0_i32 = arith.constant 0 : i32
    %c0_i32_0 = arith.constant 0 : i32
    return %arg0, %c0_i32 : i32, i32
  }
  func.func @transform_1(%arg0: i32) -> (i32, i32) {
    %c0_i32 = arith.constant 0 : i32
    %c0_i32_0 = arith.constant 0 : i32
    %c0_i32_1 = arith.constant 0 : i32
    return %c0_i32, %c0_i32_0 : i32, i32
  }
  func.func @transform_2(%arg0: i32) -> (i32, i32) {
    %c0_i32 = arith.constant 0 : i32
    %c0_i32_0 = arith.constant 0 : i32
    return %arg0, %c0_i32 : i32, i32
  }
  func.func @transform_3(%arg0: i32) -> (i32, i32) {
    %c0_i32 = arith.constant 0 : i32
    %c0_i32_0 = arith.constant 0 : i32
    %c0_i32_1 = arith.constant 0 : i32
    return %c0_i32, %c0_i32_0 : i32, i32
  }
}

</mosaic_0001>

<sc_bundles>
// kernel: kernel.4.cloned.1.call-start
scs
__scs_entry_jumppad:
0x0: {  	(pc) =	sbr.rel $0x88, $3  }
0x1: {  	(tag) =	ssettag $0x0;
	lr =	simm.s32 $0x1  }
0x2: {  	[smem:$0x3F9F] =	sst lr;
	_ =	strace $0xD0000000  }
0x3: {  	_ = 	snop  }
0x4: {  	_ = 	snop  }
0x5: {  	_ = 	snop  }
0x6: {  	_ = 	snop  }
0x7: {  	_ = 	snop  }
__scs_overlays_trampoline_lowered:
0x8: {  	[smem:$0x3FAE] =	sst s0  }
0x9: {  	[smem:$0x3FAF] =	sst s1  }
0xa: {  	[smem:$0x3FB0] =	sst s2  }
0xb: {  	[smem:$0x3FB1] =	sst s3  }
0xc: {  	[smem:$0x3FB2] =	sst s4  }
0xd: {  	[smem:$0x3FB3] =	sst s5  }
0xe: {  	[smem:$0x3FB4] =	sst s6  }
0xf: {  	[smem:$0x3FB5] =	sst s7  }
0x10: {  	[smem:$0x3FB6] =	sst s8  }
0x11: {  	[smem:$0x3FB7] =	sst s9;
	s0 =	simm.s32 @!p0 $0x0  }
0x12: {  	s1 =	sld [smem:$0x3F9D];
	s0 =	simm.s32 @p0 $0x1  }
0x13: {  	[smem:$0x3FB8] =	sst s0;
	s0 =	simm.s32 @!p1 $0x0  }
0x14: {  	s2 =	sld [smem:$0x3F9C];
	s0 =	simm.s32 @p1 $0x1  }
0x15: {  	[smem:$0x3FB9] =	sst s0;
	s0 =	simm.s32 @!p2 $0x0  }
0x16: {  	s3 =	sld [smem:$0x3FDB];
	s0 =	simm.s32 @p2 $0x1  }
0x17: {  	s4 =	simm.s32 $0x1BF5;
	[smem:$0x3FBB] =	sst s0  }
0x18: {  	s0 =	sld [smem:$0x3F9E];
	_ =	swait.ge [sflag:s4], $0x0  }
0x19: {  	s7 =	sld [smem:$0x3F9F]  }
0x1a: {  	s8 =	sadd.s32 $0xFFFFE003, lr  }
0x1b: {  	s9 =	sadd.s32 $0xFFFFFEF7, lr;
	s5 =	simm.s32 $0xFFFFFFFF;
	p2 =	slt.u32 s8, $0xFFFFF086  }
0x1c: {  	p1 =	slt.u32 s9, $0xF7A;
	s5 =	simm.s32 @!p2 $0x0  }
0x1d: {  	s5 =	simm.s32 @p1 $0x1;
	p0 =	seq.s32 s7, s2  }
0x1e: {  	s7 =	smul.u32 @!p0 $0xF7A, s2;
	p2 =	seq.s32 @!p0 s5, $0x0  }
0x1f: {  	s9 =	smul.u32 $0xF7A, s1;
	s8 =	simm.s32 @!p0 $0x1BF5;
	p2 =	por !p2, p0  }
0x20: {  	[sflag:s8] =	ssyncset.s32 @!p0 $0xFFFFF086;
	s6 =	sadd.s32 @!p0 s3, s7;
	s7 =	simm.s32 @!p0 $0x108  }
0x21: {  	s3 =	sadd.s32 s3, s9;
	s6 =	sadd.s32 @!p0 $0x88, s6;
	s7 =	simm.s32 @p2 $0x1082  }
0x22: {  	[simem:s7], [sflag:s8] =	dma.local @!p0 [hbm:s6], $0xF7A  }
0x23: {  	s9 =	sor.u32 $0xD0000000, s2;
	s6 =	simm.s32 $0x108;
	_ =	swait.ge @!p0 [sflag:s8], $0x0  }
0x24: {  	s3 =	sadd.s32 $0x88, s3;
	s6 =	simm.s32 @!p1 $0x1082;
	[sflag:s4] =	ssyncset.s32 $0xFFFFF086  }
0x25: {  	[simem:s6], [sflag:s4] =	dma.local [hbm:s3], $0xF7A  }
0x26: {  	[smem:$0x3F9F] =	sst s1;
	(tag) =	ssettag s2;
	_ =	strace s9  }
0x27: {  	s1 =	sld [smem:$0x3FAF]  }
0x28: {  	s2 =	sld [smem:$0x3FB0]  }
0x29: {  	s4 =	sld [smem:$0x3FB2]  }
0x2a: {  	p0 =	seq.s32 s5, $0x0;
	s5 =	sld [smem:$0x3FB3]  }
0x2b: {  	s6 =	sld [smem:$0x3FB4]  }
0x2c: {  	s7 =	sld [smem:$0x3FB5]  }
0x2d: {  	s3 =	simm.s32 $0x108;
	s8 =	sld [smem:$0x3FB6]  }
0x2e: {  	s3 =	simm.s32 @!p0 $0x1082;
	s9 =	sld [smem:$0x3FB7]  }
0x2f: {  	lr =	sadd.s32 s0, s3;
	s0 =	sld [smem:$0x3FAE]  }
0x30: {  	s3 =	sld [smem:$0x3FB1]  }
0x31: {  	[smem:$0x3FBA] =	sst s10  }
0x32: {  	s10 =	sld [smem:$0x3FB8];
	_ =	sdelay $0x3  }
0x33: {  	p0 =	seq.s32 s10, $0x1;
	s10 =	sld [smem:$0x3FBA];
	_ =	sdelay $0x3  }
0x34: {  	[smem:$0x3FBA] =	sst s10  }
0x35: {  	s10 =	sld [smem:$0x3FB9];
	_ =	sdelay $0x3  }
0x36: {  	p1 =	seq.s32 s10, $0x1;
	s10 =	sld [smem:$0x3FBA];
	_ =	sdelay $0x3  }
0x37: {  	[smem:$0x3FBA] =	sst s10  }
0x38: {  	s10 =	sld [smem:$0x3FBB]  }
0x39: {  	_ = 	snop;
	(pc) =	sbr.ind lr, $3  }
0x3a: {  	_ = 	snop  }
0x3b: {  	_ = 	snop  }
0x3c: {  	p2 =	seq.s32 s10, $0x1;
	s10 =	sld [smem:$0x3FBA]  }
0x3d: {  	_ =	shalt  }
0x3e: {  	_ =	shalt  }
0x3f: {  	_ =	shalt  }
0x40: {  	_ =	shalt  }
0x41: {  	_ =	shalt  }
0x42: {  	_ =	shalt  }
0x43: {  	_ =	shalt  }
0x44: {  	_ =	shalt  }
0x45: {  	_ =	shalt  }
0x46: {  	_ =	shalt  }
0x47: {  	_ =	shalt  }
0x48: {  	_ =	shalt  }
0x49: {  	_ =	shalt  }
0x4a: {  	_ =	shalt  }
0x4b: {  	_ =	shalt  }
0x4c: {  	_ =	shalt  }
0x4d: {  	_ =	shalt  }
0x4e: {  	_ =	shalt  }
0x4f: {  	_ =	shalt  }
0x50: {  	_ =	shalt  }
0x51: {  	_ =	shalt  }
0x52: {  	_ =	shalt  }
0x53: {  	_ =	shalt  }
0x54: {  	_ =	shalt  }
0x55: {  	_ =	shalt  }
0x56: {  	_ =	shalt  }
0x57: {  	_ =	shalt  }
0x58: {  	_ =	shalt  }
0x59: {  	_ =	shalt  }
0x5a: {  	_ =	shalt  }
0x5b: {  	_ =	shalt  }
0x5c: {  	_ =	shalt  }
0x5d: {  	_ =	shalt  }
0x5e: {  	_ =	shalt  }
0x5f: {  	_ =	shalt  }
0x60: {  	_ =	shalt  }
0x61: {  	_ =	shalt  }
0x62: {  	_ =	shalt  }
0x63: {  	_ =	shalt  }
0x64: {  	_ =	shalt  }
0x65: {  	_ =	shalt  }
0x66: {  	_ =	shalt  }
0x67: {  	_ =	shalt  }
0x68: {  	_ =	shalt  }
0x69: {  	_ =	shalt  }
0x6a: {  	_ =	shalt  }
0x6b: {  	_ =	shalt  }
0x6c: {  	_ =	shalt  }
0x6d: {  	_ =	shalt  }
0x6e: {  	_ =	shalt  }
0x6f: {  	_ =	shalt  }
0x70: {  	_ =	shalt  }
0x71: {  	_ =	shalt  }
0x72: {  	_ =	shalt  }
0x73: {  	_ =	shalt  }
0x74: {  	_ =	shalt  }
0x75: {  	_ =	shalt  }
0x76: {  	_ =	shalt  }
0x77: {  	_ =	shalt  }
0x78: {  	_ =	shalt  }
0x79: {  	_ =	shalt  }
0x7a: {  	_ =	shalt  }
0x7b: {  	_ =	shalt  }
0x7c: {  	_ =	shalt  }
0x7d: {  	_ =	shalt  }
0x7e: {  	_ =	shalt  }
0x7f: {  	_ =	shalt  }
0x80: {  	_ =	shalt  }
0x81: {  	_ =	shalt  }
0x82: {  	_ =	shalt  }
0x83: {  	_ =	shalt  }
0x84: {  	_ =	shalt  }
0x85: {  	_ =	shalt  }
0x86: {  	_ =	shalt  }
0x87: {  	_ =	shalt  }
.Lfunc_end0:
.L_simem_size_0:
called_computation_lowered:
.L_overlay_start_0:
0x88: {  	s2 =	sld [smem:$0x3FD9]  }
0x89: {  	s3 =	sld [smem:$0x3FFE];
	_ =	sdelay $0x1  }
0x8a: {  	s1 =	srdreg.scid  }
0x8b: {  	s0 =	sand.u32 $0x1, s1  }
0x8c: {  	s17 =	sshll.u32 s0, $0xA;
	s2 =	sadd.s32 s3, s2  }
0x8d: {  	s2 =	sadd.s32 s2, s17  }
0x8e: {  	[smem:$0x3FC6] =	sst s2  }
0x8f: {  	_ = 	snop  }
0x90: {  	s2 =	sld [smem:$0x3FC9];
	(tm) =	ssettm $0x1  }
0x91: {  	s18 =	sld [smem:$0x3FFB];
	_ =	sdelay $0x3  }
0x92: {  	_ =	strace s18  }
0x93: {  	s3 =	sld [smem:$0x3FFC];
	_ =	sdelay $0x3  }
0x94: {  	_ =	strace s3  }
0x95: {  	s3 =	sld [smem:$0x3FFD];
	_ =	sdelay $0x3  }
0x96: {  	_ =	strace s3  }
0x97: {  	_ =	strace $0x8FFFFFFF  }
0x98: {  	s19 =	sld [smem:$0x3FDB];
	_ =	sdelay $0x1  }
0x99: {  	s4 =	simm.s32 $_scs_section_size  }
0x9a: {  	s5 =	simm.s32 $_size__tile_overlayer_lowered;
	s6 =	simm.s32 $_tile_overlayer_lowered  }
0x9b: {  	s22 =	simm.s32 $0x1BFF;
	s21 =	sshll.u32 s6, $0x1;
	s3 =	sadd.s32 s4, s19  }
0x9c: {  	s7 =	simm.s32 $0x0;
	s20 =	sshll.u32 s5, $0x1;
	s5 =	sadd.s32 s21, s3  }
0x9d: {  	[timem:s7], [sflag:s22] =	dma.local [hbm:s5], s20  }
0x9e: {  	_ =	swait.ge [sflag:s22], s20  }
0x9f: {  	s4 =	ssub.s32 $0x0, s20;
	[sflag:s22] =	ssyncset.done $0x0  }
0xa0: {  	[sflag:s22] =	ssyncadd.s32 s4;
	_ =	sdelay $0x1  }
0xa1: {  	s23 =	simm.s32 $0x1B8B  }
0xa2: {  	_ =	swait.ge [sflag:s23], $0x1  }
0xa3: {  	[sflag:s23] =	ssyncset.done $0x0  }
0xa4: {  	s25 =	simm.s32 $0x1B8E;
	s24 =	sld [smem:$0x3FFE];
	[sflag:s23] =	ssyncadd.s32 $0xFFFFFFFF  }
0xa5: {  	s26 =	simm.s32 $execute0_lowered;
	[smem:$0x3FD2] =	sst s25  }
0xa6: {  	s5 =	sshll.u32 s26, $0x1;
	_ =	strace $0x80000046;
	[dreg:$0x1] =	wrdreg $0xFFFFFFFF  }
0xa7: {  	s28 =	simm.s32 $_size_execute0_lowered;
	s3 =	sadd.s32 s3, s5;
	[dreg:$0x0] =	wrdreg $0x0  }
0xa8: {  	s5 =	sshll.u32 s28, $0x1;
	[dreg:$0x2] =	wrdreg s3  }
0xa9: {  	[dreg:$0x3] =	wrdreg s5  }
0xaa: {  	[dreg:$0x4] =	wrdreg $0xC0  }
0xab: {  	_ =	task [dreg:s7], $0x5FFFF  }
0xac: {  	[dreg:$0x1] =	wrdreg $0xFFFFFFFF  }
0xad: {  	[dreg:$0x0] =	wrdreg $0x60  }
0xae: {  	[dreg:$0x2] =	wrdreg s2  }
0xaf: {  	[dreg:$0x3] =	wrdreg s24  }
0xb0: {  	[dreg:$0x4] =	wrdreg $0x9  }
0xb1: {  	_ =	task.clear_ibuf [dreg:s7], $0x5FFFF;
	_ =	strace $0x90000046  }
0xb2: {  	s29 =	simm.s32 $0x9;
	_ =	strace $0x80000048  }
0xb3: {  	_ =	swait.ge [sflag:s29], $0x1  }
0xb4: {  	[sflag:s29] =	ssyncadd.s32 $0xFFFFFFFF  }
0xb5: {  	_ =	strace $0x90000048  }
0xb6: {  	_ =	sfence  }
0xb7: {  	s30 =	sld [smem:$0x0];
	_ =	sdelay $0x2  }
0xb8: {  	s31 =	sshll.u32 s1, $0xD;
	s1 =	sshrl.u32 s1, $0x2  }
0xb9: {  	s3 =	sand.u32 $0x4000, s31;
	s1 =	sadd.s32 s1, s30  }
0xba: {  	s0 =	sor.u32 s3, s0;
	s1 =	sshll.u32 s1, $0x11  }
0xbb: {  	s0 =	sor.u32 s1, s0  }
0xbc: {  	s0 =	sadd.s32 $0x8F2B, s0  }
0xbd: {  	[sflag:s0] =	ssyncadd.remote.s32 $0x1  }
0xbe: {  	_ =	sfence.sel $0xFFFF  }
0xbf: {  	[dreg:$0x0] =	wrdreg $0xFFFFFFFF;
	(pc) =	sbr.abs _section_cstart, $3  }
0xc0: {  	[dreg:$0x1] =	wrdreg $0xFFFFFFFF  }
0xc1: {  	_ =	task.clear_ibuf [dreg:s7], $0x2FFFF;
	_ =	strace $0x9FFFFFFF  }
0xc2: {  	(tm) =	ssettm $0x7FFFFFFF  }
0xc3: {  	_ =	shalt  }
tec
execute0_lowered:
.L_overlay_start_1:
0x0: {  	(tag) =	ssettag $0x1  }
0x1: {  	v0 =	vlaneseq.u32  }
0x2: {  	v1 =	vadd.s32 $0x11, v0  }
0x3: {  	[tilespmem:$0x1FF60] =	vst v1;
	v1 =	vadd.s32 $0x22, v0  }
0x4: {  	s1 =	srdreg.scid;
	s4 =	rddreg [dreg:$0x0];
	v11 =	vadd.s32 $0xBB, v0;
	[tilespmem:$0x1FF70] =	vst v1;
	v1 =	vadd.s32 $0x33, v0  }
0x5: {  	s0 =	stileid.u32;
	s5 =	rddreg [dreg:$0x1];
	v12 =	vadd.s32 $0xCC, v0;
	v13 =	vmul.u32 $0x11, v0;
	[tilespmem:$0x1FF80] =	vst v1;
	v1 =	vadd.s32 $0x44, v0  }
0x6: {  	s2 =	simm.s32 $0x0;
	s10 =	simm.s32 $0x1A000;
	s11 =	simm.s32 $0x4;
	v14 =	vadd.s32 $0xDD, v0;
	v15 =	vadd.s32 $0xEE, v0;
	[tilespmem:$0x1FF90] =	vst v1;
	v1 =	vadd.s32 $0x55, v0  }
0x7: {  	s12 =	simm.s32 $0x0;
	s3 =	sand.u32 $0x1, s1;
	s30 =	sshll.u32 s0, $0x1;
	v16 =	vadd.s32 $0xFF, v0;
	v17 =	vadd.s32 $0x1, v13;
	[tilespmem:$0x1FFA0] =	vst v1;
	v1 =	vadd.s32 $0x66, v0  }
0x8: {  	s1 =	rddreg [dreg:$0x2];
	s6 =	sor.u32 s3, s30;
	s8 =	ssub.s32 $0x2, s3;
	v18 =	vadd.s32 $0x2, v13;
	v19 =	vadd.s32 $0x3, v13;
	[tilespmem:$0x1FFB0] =	vst v1;
	v1 =	vadd.s32 $0x77, v0  }
0x9: {  	[smem:$0x7FF] =	sst s2;
	s7 =	smul.u32 $0xA, s6;
	s9 =	sshrl.u32 s8, $0x1;
	v20 =	vadd.s32 $0x4, v13;
	v21 =	vadd.s32 $0x5, v13;
	[tilespmem:$0x1FFC0] =	vst v1;
	v1 =	vadd.s32 $0x88, v0  }
0xa: {  	s3 =	sadd.s32 $0x400, s5;
	s6 =	smul.u32 $0x5000, s6;
	v22 =	vadd.s32 $0x6, v13;
	v23 =	vadd.s32 $0x7, v13;
	s31 =	ssub.s32 s8, s9;
	[tilespmem:$0x1FFD0] =	vst v1;
	v1 =	vadd.s32 $0x99, v0  }
0xb: {  	v25 =	vadd.s32 $0x9, v13;
	v26 =	vadd.s32 $0xA, v13;
	s8 =	simm.s32 $0x3;
	s9 =	simm.s32 $0x1A080;
	s5 =	sadd.s32 s7, s5;
	[tilespmem:$0x1FFE0] =	vst v1;
	v1 =	vadd.s32 $0xAA, v0  }
0xc: {  	v27 =	vadd.s32 $0xB, v13;
	v28 =	vadd.s32 $0xC, v13;
	v29 =	vadd.s32 $0xD, v13;
	s4 =	sadd.s32 s4, s6;
	s6 =	smax.u32 s31, $0x1;
	s7 =	simm.s32 $0xA000;
	[tilespmem:$0x1FFF0] =	vst v1  }
0xd: {  	v24 =	vadd.s32 $0x8, v13;
	v30 =	vadd.s32 $0xE, v13;
	v31 =	vadd.s32 $0xF, v13;
	s4 =	sadd.s32 $0x60000, s4;
	s5 =	sadd.s32 $0x1800, s5;
	_ =	strace $0x80000047  }
.LBB2_1:
0xe: {  	[tilespmem:s2], [sflag:$0x3] =	stream.linear.gather [hbm4b:s3+s2], $0xA000, $0x38;
	[tilespmem:$0x1A200] =	vst v63  }
0xf: {  	_ = 	snop  }
0x10: {  	[tilespmem:s7], [sflag:$0x1] =	stream.linear.gather [hbm4b:s4+s2], $0x8000, $0x38;
	[tilespmem:$0x1A200] =	vst v63  }
0x11: {  	_ =	swait.ge [sflag:s8], $0xA000  }
0x12: {  	[sflag:s8] =	ssyncset.done $0x0  }
0x13: {  	s13 =	simm.s32 $0x0;
	[sflag:s8] =	ssyncadd.s32 $0xFFFF6000  }
.LBB2_2:
0x14: {  	s14 =	sadd.s32 $0x1, s13  }
0x15: {  	p0 =	seq.s32 s13, $0x4;
	s17 =	sand.u32 $0x1, s13;
	s28 =	simm.s32 $0x0  }
0x16: {  	s15 =	sand.u32 @!p0 $0x1, s14;
	s18 =	sshll.u32 @!p0 s14, $0xC;
	s19 =	simm.s32 @!p0 $0x0  }
0x17: {  	s25 =	sadd.s32 $0x1, s17;
	s26 =	sshll.u32 s17, $0xF;
	s16 =	sshll.u32 @!p0 s15, $0xF  }
0x18: {  	s15 =	sadd.s32 @!p0 $0x1, s15;
	s18 =	sadd.s32 @!p0 s18, s4;
	s16 =	sadd.s32 @!p0 $0xA000, s16  }
0x19: {  	[tilespmem:s16], [sflag:s15] =	stream.linear.gather @!p0 [hbm4b:s18+s19], $0x8000, $0x38;
	[tilespmem:$0x1A200] =	vst v63  }
0x1a: {  	s29 =	sand.u32 $0x3C00, s28;
	s15 =	sadd.s32 $0xA000, s26;
	_ =	swait.ge [sflag:s25], $0x8000  }
0x1b: {  	s30 =	sand.u32 $0x70, s28;
	s18 =	sadd.s32 s29, s15;
	[sflag:s25] =	ssyncset.done $0x0  }
0x1c: {  	s31 =	sadd.s32 s30, s18;
	[sflag:s25] =	ssyncadd.s32 $0xFFFF8000  }
0x1d: {  	v32 =	vld [tilespmem:s31+$0x4380]  }
0x1e: {  	v33 =	vld [tilespmem:s31+$0x0]  }
0x1f: {  	v34 =	vld [tilespmem:s31+$0x80]  }
0x20: {  	v35 =	vld [tilespmem:s31+$0x100]  }
0x21: {  	v37 =	vld [tilespmem:s31+$0x180]  }
0x22: {  	v39 =	vld [tilespmem:s31+$0x200]  }
0x23: {  	v40 =	vld [tilespmem:s31+$0x280]  }
0x24: {  	v41 =	vld [tilespmem:s31+$0x300]  }
0x25: {  	v36 =	vmov s28;
	v38 =	vor.u32 s28, v0;
	v43 =	vld [tilespmem:s31+$0x380]  }
0x26: {  	v36 =	vand.u32 $0x780, v36;
	v38 =	vand.u32 $0x7F, v38;
	v44 =	vld [tilespmem:s31+$0x4000];
	v32 =	vshll.u32 v32, $0xB  }
0x27: {  	v45 =	vld [tilespmem:s31+$0x4080];
	v33 =	vshll.u32 v33, $0xB;
	v34 =	vshll.u32 v34, $0xB;
	v32 =	vor.u32 v36, v32  }
0x28: {  	v46 =	vld [tilespmem:s31+$0x4100];
	v35 =	vshll.u32 v35, $0xB;
	v33 =	vor.u32 v36, v33;
	v42 =	vor.u32 v38, v32  }
0x29: {  	v47 =	vld [tilespmem:s31+$0x4180];
	v37 =	vshll.u32 v37, $0xB;
	v34 =	vor.u32 v36, v34;
	v33 =	vor.u32 v38, v33  }
0x2a: {  	v48 =	vld [tilespmem:s31+$0x4200];
	v39 =	vshll.u32 v39, $0xB;
	v35 =	vor.u32 v36, v35;
	v34 =	vor.u32 v38, v34  }
0x2b: {  	v49 =	vld [tilespmem:s31+$0x4280];
	v40 =	vshll.u32 v40, $0xB;
	v37 =	vor.u32 v36, v37;
	v35 =	vor.u32 v38, v35  }
0x2c: {  	v50 =	vld [tilespmem:s31+$0x4300];
	v41 =	vshll.u32 v41, $0xB;
	v39 =	vor.u32 v36, v39;
	v37 =	vor.u32 v38, v37  }
0x2d: {  	v43 =	vshll.u32 v43, $0xB;
	v40 =	vor.u32 v36, v40;
	v39 =	vor.u32 v38, v39;
	v42 =	vld.idx.msk [tilespmem:v42+s2+$0x0], $0xffff  }
0x2e: {  	v63 =	vshll.u32 v44, $0xB;
	v41 =	vor.u32 v36, v41;
	v40 =	vor.u32 v38, v40;
	v51 =	vld.idx.msk [tilespmem:v33+s2+$0x0], $0xffff  }
0x2f: {  	v5 =	vshll.u32 v45, $0xB;
	v6 =	vshll.u32 v46, $0xB;
	v41 =	vor.u32 v38, v41;
	v34 =	vld.idx.msk [tilespmem:v34+s2+$0x0], $0xffff  }
0x30: {  	v59 =	vshll.u32 v47, $0xB;
	v62 =	vor.u32 v36, v43;
	v43 =	vor.u32 v36, v63;
	v35 =	vld.idx.msk [tilespmem:v35+s2+$0x0], $0xffff  }
0x31: {  	v60 =	vshll.u32 v48, $0xB;
	v61 =	vshll.u32 v49, $0xB;
	v7 =	vor.u32 v38, v43;
	v37 =	vld.idx.msk [tilespmem:v37+s2+$0x0], $0xffff  }
0x32: {  	v45 =	vor.u32 v36, v6;
	v63 =	vshll.u32 v50, $0xB;
	v4 =	vor.u32 v38, v62;
	v39 =	vld.idx.msk [tilespmem:v39+s2+$0x0], $0xffff  }
0x33: {  	v32 =	vimm.f32 $0.0e+00;
	v56 =	vor.u32 v38, v45;
	v33 =	vor.u32 v36, v5;
	v40 =	vld.idx.msk [tilespmem:v40+s2+$0x0], $0xffff  }
0x34: {  	v43 =	vor.u32 v36, v59;
	v62 =	vor.u32 v36, v61;
	v41 =	vld.idx.msk [tilespmem:v41+s2+$0x0], $0xffff;
	v53 =	vor.u32 v38, v33  }
0x35: {  	v57 =	vor.u32 v38, v43;
	v33 =	vadd.f32 v42, v32;
	v42 =	vor.u32 v36, v60  }
0x36: {  	v54 =	vor.u32 v38, v62;
	v52 =	vld.idx.msk [tilespmem:v7+s2+$0x0], $0xffff;
	v45 =	vadd.f32 v34, v32;
	v58 =	vor.u32 v38, v42  }
0x37: {  	v36 =	vor.u32 v36, v63;
	v43 =	vadd.f32 v35, v32;
	v42 =	vadd.f32 v51, v32;
	v51 =	vld.idx.msk [tilespmem:v4+s2+$0x0], $0xffff  }
0x38: {  	v48 =	vld.idx.msk [tilespmem:v56+s2+$0x0], $0xffff;
	v46 =	vadd.f32 v37, v32;
	v47 =	vadd.f32 v39, v32;
	v55 =	vor.u32 v38, v36  }
0x39: {  	v44 =	vadd.f32 v40, v32;
	v39 =	vadd.f32 v41, v32;
	v40 =	vimm.f32 $0.0e+00;
	v49 =	vld.idx.msk [tilespmem:v53+s2+$0x0], $0xffff  }
0x3a: {  	s17 =	simm.s32 $0x80;
	v50 =	vld.idx.msk [tilespmem:v57+s2+$0x0], $0xffff;
	v41 =	vimm.f32 $0.0e+00;
	v37 =	vimm.f32 $0.0e+00;
	v35 =	vimm.f32 $0.0e+00  }
0x3b: {  	s16 =	simm.s32 $0x10;
	s19 =	sand.u32 $0x3C00, s17;
	s18 =	simm.s32 $0x20;
	v34 =	vimm.f32 $0.0e+00;
	v38 =	vimm.f32 $0.0e+00;
	v36 =	vimm.f32 $0.0e+00;
	v53 =	vld.idx.msk [tilespmem:v58+s2+$0x0], $0xffff  }
.LBB2_3:
0x3c: {  	p0 =	sne.s32 s18, $0x7F0;
	s20 =	sand.u32 $0x70, s16;
	s19 =	sadd.s32 s19, s15;
	v32 =	vadd.f32 v51, v32;
	v51 =	vld.idx.msk [tilespmem:v54+s2+$0x0], $0xffff  }
0x3d: {  	v40 =	vadd.f32 v52, v40;
	s19 =	sadd.s32 s20, s19;
	v52 =	vld.idx.msk [tilespmem:v55+s2+$0x0], $0xffff  }
0x3e: {  	v41 =	vadd.f32 v49, v41;
	v54 =	vld [tilespmem:s19+$0x4380]  }
0x3f: {  	v37 =	vadd.f32 v48, v37;
	v49 =	vld [tilespmem:s19+$0x0]  }
0x40: {  	v35 =	vadd.f32 v50, v35;
	v48 =	vld [tilespmem:s19+$0x80]  }
0x41: {  	v38 =	vadd.f32 v53, v38;
	v50 =	vld [tilespmem:s19+$0x100]  }
0x42: {  	v53 =	vmov s16;
	v36 =	vadd.f32 v51, v36;
	v55 =	vld [tilespmem:s19+$0x180]  }
0x43: {  	v51 =	vor.u32 s16, v0;
	v53 =	vand.u32 $0x780, v53;
	s16 =	smov.u32 s18;
	v56 =	vld [tilespmem:s19+$0x200];
	v54 =	vshll.u32 v54, $0xB  }
0x44: {  	v51 =	vand.u32 $0x7F, v51;
	v49 =	vshll.u32 v49, $0xB;
	v57 =	vld [tilespmem:s19+$0x280];
	v54 =	vor.u32 v53, v54  }
0x45: {  	v49 =	vor.u32 v53, v49;
	v48 =	vshll.u32 v48, $0xB;
	v58 =	vld [tilespmem:s19+$0x300];
	v54 =	vor.u32 v51, v54  }
0x46: {  	v49 =	vor.u32 v51, v49;
	v48 =	vor.u32 v53, v48;
	v50 =	vshll.u32 v50, $0xB;
	v59 =	vld [tilespmem:s19+$0x380]  }
0x47: {  	v48 =	vor.u32 v51, v48;
	v50 =	vor.u32 v53, v50;
	v55 =	vshll.u32 v55, $0xB;
	v60 =	vld [tilespmem:s19+$0x4000]  }
0x48: {  	v50 =	vor.u32 v51, v50;
	v55 =	vor.u32 v53, v55;
	v56 =	vshll.u32 v56, $0xB;
	v61 =	vld [tilespmem:s19+$0x4080]  }
0x49: {  	v55 =	vor.u32 v51, v55;
	v56 =	vor.u32 v53, v56;
	v57 =	vshll.u32 v57, $0xB;
	v62 =	vld [tilespmem:s19+$0x4100]  }
0x4a: {  	v56 =	vor.u32 v51, v56;
	v57 =	vor.u32 v53, v57;
	v58 =	vshll.u32 v58, $0xB;
	v54 =	vld.idx.msk [tilespmem:v54+s2+$0x0], $0xffff  }
0x4b: {  	v57 =	vor.u32 v51, v57;
	v58 =	vor.u32 v53, v58;
	v59 =	vshll.u32 v59, $0xB;
	v63 =	vld [tilespmem:s19+$0x4180]  }
0x4c: {  	v58 =	vor.u32 v51, v58;
	v59 =	vor.u32 v53, v59;
	v60 =	vshll.u32 v60, $0xB;
	v1 =	vld [tilespmem:s19+$0x4200]  }
0x4d: {  	v59 =	vor.u32 v51, v59;
	v60 =	vor.u32 v53, v60;
	v61 =	vshll.u32 v61, $0xB;
	v2 =	vld [tilespmem:s19+$0x4280]  }
0x4e: {  	v60 =	vor.u32 v51, v60;
	v61 =	vor.u32 v53, v61;
	v62 =	vshll.u32 v62, $0xB;
	v3 =	vld [tilespmem:s19+$0x4300]  }
0x4f: {  	v34 =	vadd.f32 v52, v34;
	v49 =	vld.idx.msk [tilespmem:v49+s2+$0x0], $0xffff;
	v61 =	vor.u32 v51, v61;
	v62 =	vor.u32 v53, v62  }
0x50: {  	v33 =	vadd.f32 v54, v33;
	v48 =	vld.idx.msk [tilespmem:v48+s2+$0x0], $0xffff;
	v62 =	vor.u32 v51, v62;
	v52 =	vshll.u32 v63, $0xB  }
0x51: {  	v50 =	vld.idx.msk [tilespmem:v50+s2+$0x0], $0xffff;
	v52 =	vor.u32 v53, v52;
	v1 =	vshll.u32 v1, $0xB  }
0x52: {  	v63 =	vld.idx.msk [tilespmem:v55+s2+$0x0], $0xffff;
	v4 =	vor.u32 v51, v52;
	v1 =	vor.u32 v53, v1;
	v2 =	vshll.u32 v2, $0xB  }
0x53: {  	v56 =	vld.idx.msk [tilespmem:v56+s2+$0x0], $0xffff;
	v1 =	vor.u32 v51, v1;
	v2 =	vor.u32 v53, v2;
	v3 =	vshll.u32 v3, $0xB  }
0x54: {  	v57 =	vld.idx.msk [tilespmem:v57+s2+$0x0], $0xffff;
	v54 =	vor.u32 v51, v2;
	v2 =	vor.u32 v53, v3  }
0x55: {  	v42 =	vadd.f32 v49, v42;
	v3 =	vld.idx.msk [tilespmem:v58+s2+$0x0], $0xffff;
	v55 =	vor.u32 v51, v2  }
0x56: {  	v45 =	vadd.f32 v48, v45;
	v51 =	vld.idx.msk [tilespmem:v59+s2+$0x0], $0xffff  }
.Ltmp0:
0x57: {  	v43 =	vadd.f32 v50, v43;
	v52 =	vld.idx.msk [tilespmem:v60+s2+$0x0], $0xffff;
	(pc) =	sbr.rel @p0 .LBB2_3-.Ltmp0, $4  }
0x58: {  	v46 =	vadd.f32 v63, v46;
	v49 =	vld.idx.msk [tilespmem:v61+s2+$0x0], $0xffff  }
0x59: {  	v47 =	vadd.f32 v56, v47;
	v48 =	vld.idx.msk [tilespmem:v62+s2+$0x0], $0xffff  }
0x5a: {  	s17 =	sadd.s32 $0x80, s17;
	v44 =	vadd.f32 v57, v44;
	v50 =	vld.idx.msk [tilespmem:v4+s2+$0x0], $0xffff  }
0x5b: {  	s18 =	sadd.s32 $0x10, s18;
	s19 =	sand.u32 $0x3C00, s17;
	v39 =	vadd.f32 v3, v39;
	v53 =	vld.idx.msk [tilespmem:v1+s2+$0x0], $0xffff  }
0x5c: {  	_ =	sdelay $0x3  }
0x5d: {  	s17 =	sand.u32 $0x70, s16;
	s15 =	sadd.s32 s19, s15;
	v1 =	vld.idx.msk [tilespmem:v54+s2+$0x0], $0xffff  }
0x5e: {  	v2 =	vld.idx.msk [tilespmem:v55+s2+$0x0], $0xffff;
	s15 =	sadd.s32 s17, s15  }
0x5f: {  	v3 =	vld [tilespmem:s15+$0x4380]  }
0x60: {  	v4 =	vld [tilespmem:s15+$0x0]  }
0x61: {  	v54 =	vld [tilespmem:s15+$0x80]  }
0x62: {  	v55 =	vld [tilespmem:s15+$0x100]  }
0x63: {  	v57 =	vld [tilespmem:s15+$0x180]  }
0x64: {  	v59 =	vld [tilespmem:s15+$0x200]  }
0x65: {  	v60 =	vld [tilespmem:s15+$0x280]  }
0x66: {  	v61 =	vld [tilespmem:s15+$0x300]  }
0x67: {  	v56 =	vmov s16;
	v62 =	vld [tilespmem:s15+$0x380]  }
0x68: {  	v58 =	vor.u32 s16, v0;
	v56 =	vand.u32 $0x780, v56;
	v63 =	vld [tilespmem:s15+$0x4000];
	v3 =	vshll.u32 v3, $0xB  }
0x69: {  	v58 =	vand.u32 $0x7F, v58;
	v5 =	vld [tilespmem:s15+$0x4080];
	v4 =	vshll.u32 v4, $0xB;
	v3 =	vor.u32 v56, v3  }
0x6a: {  	v6 =	vld [tilespmem:s15+$0x4100];
	v54 =	vshll.u32 v54, $0xB;
	v4 =	vor.u32 v56, v4;
	v3 =	vor.u32 v58, v3  }
0x6b: {  	v7 =	vld [tilespmem:s15+$0x4180];
	v55 =	vshll.u32 v55, $0xB;
	v54 =	vor.u32 v56, v54;
	v4 =	vor.u32 v58, v4  }
0x6c: {  	v8 =	vld [tilespmem:s15+$0x4200];
	v57 =	vshll.u32 v57, $0xB;
	v55 =	vor.u32 v56, v55;
	v54 =	vor.u32 v58, v54  }
0x6d: {  	v9 =	vld [tilespmem:s15+$0x4280];
	v59 =	vshll.u32 v59, $0xB;
	v57 =	vor.u32 v56, v57;
	v55 =	vor.u32 v58, v55  }
0x6e: {  	v10 =	vld [tilespmem:s15+$0x4300];
	v60 =	vshll.u32 v60, $0xB;
	v59 =	vor.u32 v56, v59;
	v57 =	vor.u32 v58, v57  }
0x6f: {  	v61 =	vshll.u32 v61, $0xB;
	v60 =	vor.u32 v56, v60;
	v59 =	vor.u32 v58, v59;
	v3 =	vld.idx.msk [tilespmem:v3+s2+$0x0], $0xffff  }
0x70: {  	v62 =	vshll.u32 v62, $0xB;
	v61 =	vor.u32 v56, v61;
	v60 =	vor.u32 v58, v60;
	v4 =	vld.idx.msk [tilespmem:v4+s2+$0x0], $0xffff  }
0x71: {  	v63 =	vshll.u32 v63, $0xB;
	v62 =	vor.u32 v56, v62;
	v61 =	vor.u32 v58, v61;
	v54 =	vld.idx.msk [tilespmem:v54+s2+$0x0], $0xffff  }
0x72: {  	v5 =	vshll.u32 v5, $0xB;
	v63 =	vor.u32 v56, v63;
	v62 =	vor.u32 v58, v62;
	v55 =	vld.idx.msk [tilespmem:v55+s2+$0x0], $0xffff  }
0x73: {  	v6 =	vshll.u32 v6, $0xB;
	v5 =	vor.u32 v56, v5;
	v63 =	vor.u32 v58, v63;
	v57 =	vld.idx.msk [tilespmem:v57+s2+$0x0], $0xffff  }
0x74: {  	v7 =	vshll.u32 v7, $0xB;
	v6 =	vor.u32 v56, v6;
	v5 =	vor.u32 v58, v5;
	v59 =	vld.idx.msk [tilespmem:v59+s2+$0x0], $0xffff  }
0x75: {  	v7 =	vor.u32 v56, v7;
	v6 =	vor.u32 v58, v6;
	v60 =	vld.idx.msk [tilespmem:v60+s2+$0x0], $0xffff  }
0x76: {  	v7 =	vor.u32 v58, v7;
	v61 =	vld.idx.msk [tilespmem:v61+s2+$0x0], $0xffff  }
0x77: {  	v8 =	vshll.u32 v8, $0xB;
	v9 =	vshll.u32 v9, $0xB;
	v10 =	vshll.u32 v10, $0xB;
	v62 =	vld.idx.msk [tilespmem:v62+s2+$0x0], $0xffff  }
0x78: {  	v8 =	vor.u32 v56, v8;
	v9 =	vor.u32 v56, v9;
	v10 =	vor.u32 v56, v10;
	v56 =	vld.idx.msk [tilespmem:v63+s2+$0x0], $0xffff  }
0x79: {  	v5 =	vld.idx.msk [tilespmem:v5+s2+$0x0], $0xffff  }
0x7a: {  	v8 =	vor.u32 v58, v8;
	v6 =	vld.idx.msk [tilespmem:v6+s2+$0x0], $0xffff  }
0x7b: {  	v9 =	vor.u32 v58, v9;
	v7 =	vld.idx.msk [tilespmem:v7+s2+$0x0], $0xffff  }
0x7c: {  	v10 =	vor.u32 v58, v10;
	v43 =	vadd.f32 v55, v43;
	v55 =	vadd.f32 v57, v46;
	v57 =	vld [tilespmem:$0x1FF60]  }
0x7d: {  	v58 =	vadd.f32 v59, v47;
	v59 =	vld [tilespmem:$0x1FF70]  }
0x7e: {  	v63 =	vld [tilespmem:$0x1FF80]  }
0x7f: {  	v8 =	vld.idx.msk [tilespmem:v8+s2+$0x0], $0xffff  }
0x80: {  	v9 =	vld.idx.msk [tilespmem:v9+s2+$0x0], $0xffff  }
0x81: {  	v10 =	vld.idx.msk [tilespmem:v10+s2+$0x0], $0xffff;
	v4 =	vadd.f32 v4, v42  }
0x82: {  	v54 =	vadd.f32 v54, v45;
	v46 =	vld [tilespmem:$0x1FF90]  }
0x83: {  	v47 =	vadd.f32 v49, v41;
	v49 =	vld [tilespmem:$0x1FFA0];
	[tilespmem:v0+s9+$0x0] =	vst.idx.msk $0xffff, v4  }
0x84: {  	v32 =	vadd.f32 v51, v32;
	v51 =	vld [tilespmem:$0x1FFB0];
	[tilespmem:v57+s9+$0x0] =	vst.idx.msk $0xffff, v54  }
0x85: {  	v45 =	vadd.f32 v52, v40;
	v52 =	vld [tilespmem:$0x1FFC0];
	[tilespmem:v59+s9+$0x0] =	vst.idx.msk $0xffff, v43  }
0x86: {  	[tilespmem:v63+s9+$0x0] =	vst.idx.msk $0xffff, v55;
	v55 =	vld [tilespmem:$0x1FFD0]  }
0x87: {  	v57 =	vld [tilespmem:$0x1FFE0]  }
0x88: {  	v59 =	vld [tilespmem:$0x1FFF0]  }
0x89: {  	v60 =	vadd.f32 v60, v44  }
0x8a: {  	v39 =	vadd.f32 v61, v39;
	[tilespmem:v46+s9+$0x0] =	vst.idx.msk $0xffff, v58  }
0x8b: {  	v32 =	vadd.f32 v62, v32;
	[tilespmem:v49+s9+$0x0] =	vst.idx.msk $0xffff, v60  }
0x8c: {  	v37 =	vadd.f32 v48, v37;
	v4 =	vadd.f32 v56, v45;
	[tilespmem:v51+s9+$0x0] =	vst.idx.msk $0xffff, v39  }
0x8d: {  	v35 =	vadd.f32 v50, v35;
	v5 =	vadd.f32 v5, v47;
	[tilespmem:v52+s9+$0x0] =	vst.idx.msk $0xffff, v32  }
0x8e: {  	v6 =	vadd.f32 v6, v37;
	v54 =	vadd.f32 v53, v38;
	[tilespmem:v55+s9+$0x0] =	vst.idx.msk $0xffff, v4  }
0x8f: {  	v1 =	vadd.f32 v1, v36;
	v56 =	vadd.f32 v7, v35;
	[tilespmem:v57+s9+$0x0] =	vst.idx.msk $0xffff, v5  }
0x90: {  	v2 =	vadd.f32 v2, v34;
	v58 =	vadd.f32 v8, v54;
	[tilespmem:v59+s9+$0x0] =	vst.idx.msk $0xffff, v6  }
0x91: {  	v1 =	vadd.f32 v9, v1;
	[tilespmem:v11+s9+$0x0] =	vst.idx.msk $0xffff, v56  }
0x92: {  	v2 =	vadd.f32 v10, v2;
	[tilespmem:v12+s9+$0x0] =	vst.idx.msk $0xffff, v58  }
0x93: {  	v3 =	vadd.f32 v3, v33;
	[tilespmem:v14+s9+$0x0] =	vst.idx.msk $0xffff, v1  }
0x94: {  	[tilespmem:v15+s9+$0x0] =	vst.idx.msk $0xffff, v2  }
0x95: {  	[tilespmem:v16+s9+$0x0] =	vst.idx.msk $0xffff, v3  }
0x96: {  	v1 =	vld.idx.msk [tilespmem:v13+s9+$0x0], $0xffff;
	_ =	sdelay $0x1  }
0x97: {  	v2 =	vld.idx.msk [tilespmem:v17+s9+$0x0], $0xffff;
	_ =	sdelay $0x1  }
0x98: {  	v3 =	vld.idx.msk [tilespmem:v18+s9+$0x0], $0xffff  }
0x99: {  	v1 =	vadd.f32 $0.0e+00, v1  }
0x9a: {  	v4 =	vld.idx.msk [tilespmem:v19+s9+$0x0], $0xffff  }
0x9b: {  	v1 =	vadd.f32 v2, v1  }
0x9c: {  	v2 =	vld.idx.msk [tilespmem:v20+s9+$0x0], $0xffff  }
0x9d: {  	v1 =	vadd.f32 v3, v1  }
0x9e: {  	v3 =	vld.idx.msk [tilespmem:v21+s9+$0x0], $0xffff  }
0x9f: {  	v1 =	vadd.f32 v4, v1  }
0xa0: {  	v60 =	vld.idx.msk [tilespmem:v22+s9+$0x0], $0xffff  }
0xa1: {  	v1 =	vadd.f32 v2, v1  }
0xa2: {  	v2 =	vld.idx.msk [tilespmem:v23+s9+$0x0], $0xffff  }
0xa3: {  	v1 =	vadd.f32 v3, v1  }
0xa4: {  	v3 =	vld.idx.msk [tilespmem:v24+s9+$0x0], $0xffff  }
0xa5: {  	v1 =	vadd.f32 v60, v1  }
0xa6: {  	v61 =	vld.idx.msk [tilespmem:v25+s9+$0x0], $0xffff  }
0xa7: {  	v1 =	vadd.f32 v2, v1  }
0xa8: {  	v2 =	vld.idx.msk [tilespmem:v26+s9+$0x0], $0xffff  }
0xa9: {  	v1 =	vadd.f32 v3, v1  }
0xaa: {  	v3 =	vld.idx.msk [tilespmem:v27+s9+$0x0], $0xffff  }
0xab: {  	v1 =	vadd.f32 v61, v1  }
0xac: {  	v62 =	vld.idx.msk [tilespmem:v28+s9+$0x0], $0xffff  }
0xad: {  	v1 =	vadd.f32 v2, v1  }
0xae: {  	v2 =	vld.idx.msk [tilespmem:v29+s9+$0x0], $0xffff  }
0xaf: {  	v1 =	vadd.f32 v3, v1  }
0xb0: {  	v3 =	vld.idx.msk [tilespmem:v30+s9+$0x0], $0xffff  }
0xb1: {  	v1 =	vadd.f32 v62, v1  }
0xb2: {  	v63 =	vld.idx.msk [tilespmem:v31+s9+$0x0], $0xffff  }
0xb3: {  	v1 =	vadd.f32 v2, v1  }
0xb4: {  	p0 =	sne.s32 s14, $0x5  }
.Ltmp1:
0xb5: {  	v1 =	vadd.f32 v3, v1;
	(pc) =	sbr.rel @p0 .LBB2_2-.Ltmp1, $4  }
0xb6: {  	_ = 	snop  }
0xb7: {  	s13 =	sshll.u32 s13, $0x4;
	v1 =	vadd.f32 v63, v1  }
0xb8: {  	s13 =	sand.u32 $0x3FFFFFF0, s13  }
0xb9: {  	[tilespmem:s13+$0x1A000] =	vst v1;
	s13 =	smov.u32 s14  }
0xba: {  	s12 =	sadd.s32 $0x1, s12  }
0xbb: {  	p0 =	sne.s32 s12, s6  }
.Ltmp2:
0xbc: {  	_ = 	snop;
	(pc) =	sbr.rel @p0 .LBB2_1-.Ltmp2, $4  }
0xbd: {  	[hbm4b:s5+s2] =	stream.linear.scatter [tilespmem:s10], [sflag:$0x4], $0x50, $0x38;
	[tilespmem:$0x1A200] =	vst v63  }
0xbe: {  	_ =	swait.ge [sflag:s11], $0x50  }
0xbf: {  	[sflag:s11] =	ssyncset.done $0x0  }
0xc0: {  	[sflag:s11] =	ssyncadd.s32 $0xFFFFFFB0  }
0xc1: {  	_ =	sfence.sel $0x180000  }
0xc2: {  	[bflag:$0x0] =	sbarrier.arrive $0xFFFF  }
0xc3: {  	p0 =	sne.s32 s0, $0x0;
	_ =	strace $0x90000047  }
0xc4: {  	s0 =	sadd.s32 @!p0 $0x100000, s1;
	[bflag:$0x2] =	sbarrier.arrive $0xFFFF  }
0xc5: {  	[sflag:s0] =	ssyncadd.tile.s32 @!p0 $0x1;
	_ =	shalt  }
.Lfunc_end2:
_tile_overlayer_lowered:
.L_overlay_start_2:
0xc6: {  	(tag) =	ssettag $0x2  }
0xc7: {  	s0 =	rddreg [dreg:$0x0];
	s2 =	stileid.u32  }
0xc8: {  	s1 =	rddreg [dreg:$0x1];
	p0 =	sne.s32 s2, $0x0  }
0xc9: {  	s3 =	rddreg [dreg:$0x2];
	[bflag:$0x3] =	sbarrier.arrive $0xFFFF;
	s2 =	simm.s32 @!p0 $0x1C04  }
0xca: {  	[timem:s3], [sflag:s2] =	dma.local @!p0 [hbm:s0], s1  }
0xcb: {  	s0 =	simm.s32 @!p0 $0x4  }
0xcc: {  	_ =	swait.ge @!p0 [sflag:s0], s1  }
0xcd: {  	s1 =	ssub.s32 @!p0 $0x0, s1;
	[sflag:s0] =	ssyncset.done @!p0 $0x0  }
0xce: {  	[sflag:s0] =	ssyncadd.s32 @!p0 s1  }
0xcf: {  	[bflag:$0x3] =	sbarrier.arrive $0xFFFF  }
0xd0: {  	_ =	shalt  }

</sc_bundles>
